<compile_context>
chip_gen: v7x
topology: tpu7x:2x2x1
jax: 0.10.2.dev20260603
libtpu: 0.0.44.dev20260713+nightly
codegen_flags: <defaults>
</compile_context>

<pallas_src>
import functools

import jax
import jax.numpy as jnp
from jax import lax
from jax.experimental import pallas as pl
from jax.experimental.pallas import tpu as pltpu
from jax.experimental.pallas import tpu_sc as plsc

LANES = 16


def _fuse_body(token_ref, pos_ref, seg2_ref, out_ref):
    tp = token_ref[...] + pos_ref[...]
    out_ref[...] = tp[None, :, :] + seg2_ref[...][:, None, :]


def _build_fused(token_table, pos_table, seg_table):
    V, D = token_table.shape
    S = seg_table.shape[0]
    W = 2 * D
    tok2 = token_table.reshape(V // 2, W)
    pos2 = pos_table.reshape(V // 2, W)
    seg2 = jnp.concatenate([seg_table, seg_table], axis=-1)
    BV = 2000
    assert (V // 2) % BV == 0
    fused = pl.pallas_call(
        _fuse_body,
        grid=(V // 2 // BV,),
        in_specs=[
            pl.BlockSpec((BV, W), lambda i: (i, 0)),
            pl.BlockSpec((BV, W), lambda i: (i, 0)),
            pl.BlockSpec((S, W), lambda i: (0, 0)),
        ],
        out_specs=pl.BlockSpec((S, BV, W), lambda i: (0, i, 0)),
        out_shape=jax.ShapeDtypeStruct((S, V // 2, W), jnp.float32),
    )(tok2, pos2, seg2)
    return fused.reshape(S * V, D)


@functools.partial(jax.jit, static_argnums=(3,))
def _sc_gather(seq_f, lab_f, fused, V):
    N = seq_f.shape[0]
    D = fused.shape[1]
    info = plsc.get_sparse_core_info()
    NC, NS = info.num_cores, info.num_subcores
    NW = NC * NS
    assert N % NW == 0
    per_w = N // NW
    BLK = 640
    SUB = 128
    assert per_w % BLK == 0 and BLK % LANES == 0
    nblk = per_w // BLK
    subs = []
    lo = 0
    while lo < BLK:
        subs.append((lo, min(SUB, BLK - lo)))
        lo += SUB
    mesh = plsc.VectorSubcoreMesh(core_axis_name="c", subcore_axis_name="s")

    assert nblk % 2 == 0

    @functools.partial(
        pl.kernel,
        mesh=mesh,
        compiler_params=pltpu.CompilerParams(use_tc_tiling_on_sc=False),
        out_type=jax.ShapeDtypeStruct((N, 2 * D), jnp.float32),
        scratch_types=[
            pltpu.VMEM((BLK,), jnp.int32),
            pltpu.VMEM((BLK,), jnp.int32),
            pltpu.VMEM((BLK,), jnp.int32),
            pltpu.VMEM((BLK,), jnp.int32),
            pltpu.VMEM((BLK,), jnp.int32),
            pltpu.VMEM((BLK,), jnp.int32),
            pltpu.VMEM((BLK, D), jnp.float32),
            pltpu.VMEM((BLK, D), jnp.float32),
            pltpu.SemaphoreType.DMA,
            pltpu.SemaphoreType.DMA,
            pltpu.SemaphoreType.DMA,
            pltpu.SemaphoreType.DMA,
        ],
    )
    def gather(seq_hbm, lab_hbm, table_hbm, out_hbm, seq_a, seq_b, lab_a,
               lab_b, idx_a, idx_b, rows_a, rows_b, sio_a, sio_b, sg_a,
               sg_b):
        wid = lax.axis_index("s") * NC + lax.axis_index("c")
        w0 = wid * per_w
        S = (seq_a, seq_b)
        A = (lab_a, lab_b)
        I = (idx_a, idx_b)
        R = (rows_a, rows_b)
        SIO = (sio_a, sio_b)
        SG = (sg_a, sg_b)

        def fire_io(b, p):
            base = w0 + b * BLK
            pltpu.async_copy(seq_hbm.at[pl.ds(base, BLK)], S[p], SIO[p])
            pltpu.async_copy(lab_hbm.at[pl.ds(base, BLK)], A[p], SIO[p])

        def wait_io(b, p):
            base = w0 + b * BLK
            pltpu.make_async_copy(seq_hbm.at[pl.ds(base, BLK)], S[p],
                                  SIO[p]).wait()
            pltpu.make_async_copy(lab_hbm.at[pl.ds(base, BLK)], A[p],
                                  SIO[p]).wait()

        def calc_idx(p):
            def cidx(i, c):
                sl = pl.ds(i * LANES, LANES)
                I[p][sl] = A[p][sl] * V + S[p][sl]
                return c

            lax.fori_loop(0, BLK // LANES, cidx, 0)

        def fire_gathers(p):
            for lo, n in subs:
                sl = pl.ds(lo, n)
                pltpu.async_copy(table_hbm.at[I[p].at[sl]], R[p].at[sl],
                                 SG[p])

        def wait_gathers(p):
            for lo, n in subs:
                sl = pl.ds(lo, n)
                pltpu.make_async_copy(table_hbm.at[I[p].at[sl]],
                                      R[p].at[sl], SG[p]).wait()

        def out_copy(b, p):
            base = w0 + b * BLK
            pltpu.sync_copy(R[p], out_hbm.at[pl.ds(base, BLK), pl.ds(0, D)])

        fire_io(0, 0)
        wait_io(0, 0)
        calc_idx(0)
        fire_gathers(0)
        fire_io(1, 1)

        def body(g, carry):
            b1 = 2 * g + 1
            wait_io(b1, 1)
            calc_idx(1)
            fire_gathers(1)
            fire_io(b1 + 1, 0)
            wait_gathers(0)
            out_copy(b1 - 1, 0)
            b2 = b1 + 1
            wait_io(b2, 0)
            calc_idx(0)
            fire_gathers(0)

            @pl.when(b2 + 1 < nblk)
            def _():
                fire_io(b2 + 1, 1)

            wait_gathers(1)
            out_copy(b2 - 1, 1)
            return carry

        lax.fori_loop(0, nblk // 2 - 1, body, 0)
        bl = nblk - 1
        wait_io(bl, 1)
        calc_idx(1)
        fire_gathers(1)
        wait_gathers(0)
        out_copy(bl - 1, 0)
        wait_gathers(1)
        out_copy(bl, 1)

    return gather(seq_f, lab_f, fused)


def kernel(seq, segment_lab, token_table, pos_table, seg_table):
    B, L = seq.shape
    V, D = token_table.shape
    fused = _build_fused(token_table, pos_table, seg_table)
    out = _sc_gather(seq.reshape(-1), segment_lab.reshape(-1), fused, V)
    return out[:, :D].reshape(B, L, D)

# --- scband reference (transcript-rebuilt; emitter-appended) ---
"""Pipeline reference for scband-bert-embedding-28063316312684 (READ-ONLY COPY).

The authoritative reference and input builder live on the scoring server;
editing this copy changes nothing except your own understanding.
"""

import jax, jax.numpy as jnp
import numpy as np

V = 100000  # vocab_size (also used as max_seq_len for position table, per original code)
D = 64      # emb_dim (config.hidden_size assumed == emb_dim so the sum is shape-consistent)
B = 4096
L = 200
PAD_IDX = 0


def setup_inputs(seed: int = 0) -> dict:
    key = jax.random.key(seed)
    k1, k2, k3, k4, k5 = jax.random.split(key, 5)
    seq = jax.random.randint(k1, (B, L), 0, V, dtype=jnp.int32)
    segment_lab = jax.random.randint(k2, (B, L), 0, 3, dtype=jnp.int32)
    token_table = jax.random.normal(k3, (V, D), dtype=jnp.float32) * 0.02
    # padding_idx row is zeroed in nn.Embedding
    token_table = token_table.at[PAD_IDX].set(0.0)
    # Note: original code calls from_pretrained but never assigns the result,
    # so the position embedding stays a randomly-initialized learned table.
    pos_table = jax.random.normal(k4, (V, D), dtype=jnp.float32) * 0.02
    seg_table = jax.random.normal(k5, (3, D), dtype=jnp.float32) * 0.02
    return {
        "seq": seq,
        "segment_lab": segment_lab,
        "token_table": token_table,
        "pos_table": pos_table,
        "seg_table": seg_table,
    }


def reference(seq, segment_lab, token_table, pos_table, seg_table):
    # TokenEmbedding: table lookup (gather)
    token_emb = jnp.take(token_table, seq, axis=0)
    # PositionEmbedding: indexed by the token ids (as in the original forward)
    pos_emb = jnp.take(pos_table, seq, axis=0)
    # SegmentEmbedding
    seg_emb = jnp.take(seg_table, segment_lab, axis=0)
    bert_input = token_emb + pos_emb + seg_emb
    # dropout is identity in eval mode
    return bert_input

if __name__ == "__main__":
    import jax
    _d = setup_inputs()
    print(jax.jit(kernel)(*tuple(_d.values())))

</pallas_src>

<mosaic_0001>
#map = affine_map<(d0, d1) -> (0)>
#map1 = affine_map<(d0, d1) -> (0, 0)>
module attributes {stable_mosaic.version = 14 : i64} {
  func.func @gather(%arg0: i32, %arg1: i32, %arg2: memref<819200xi32, #tpu.memory_space<hbm>>, %arg3: memref<819200xi32, #tpu.memory_space<hbm>>, %arg4: memref<300000x64xf32, #tpu.memory_space<hbm>>, %arg5: memref<819200x128xf32, #tpu.memory_space<hbm>>, %arg6: memref<640xi32, #tpu.memory_space<vmem>>, %arg7: memref<640xi32, #tpu.memory_space<vmem>>, %arg8: memref<640xi32, #tpu.memory_space<vmem>>, %arg9: memref<640xi32, #tpu.memory_space<vmem>>, %arg10: memref<640xi32, #tpu.memory_space<vmem>>, %arg11: memref<640xi32, #tpu.memory_space<vmem>>, %arg12: memref<640x64xf32, #tpu.memory_space<vmem>>, %arg13: memref<640x64xf32, #tpu.memory_space<vmem>>, %arg14: memref<!tpu.dma_semaphore, #tpu.memory_space<semaphore_mem>>, %arg15: memref<!tpu.dma_semaphore, #tpu.memory_space<semaphore_mem>>, %arg16: memref<!tpu.dma_semaphore, #tpu.memory_space<semaphore_mem>>, %arg17: memref<!tpu.dma_semaphore, #tpu.memory_space<semaphore_mem>>) attributes {dimension_semantics = [#tpu.dimension_semantics<core_parallel>, #tpu.dimension_semantics<subcore_parallel>], iteration_bounds = array<i64: 2, 16>, scalar_prefetch = 0 : i64, scratch_operands = 12 : i64, tpu.core_type = #tpu.core_type<sc_vector_subcore>, window_params = [{transform_indices = #map}, {transform_indices = #map}, {transform_indices = #map1}, {transform_indices = #map1}]} {
    %mul3A = arith.constant 2 : i32
    %mul3A_0 = arith.muli %arg1, %mul3A : i32
    %add3A = arith.addi %mul3A_0, %arg0 : i32
    %mul3A_1 = arith.constant 25600 : i32
    %mul3A_2 = arith.muli %add3A, %mul3A_1 : i32
    %add3A_3 = arith.constant 0 : i32
    %add3A_4 = arith.addi %mul3A_2, %add3A_3 : i32
    %dma_start3A = tpu.memref_slice %arg2[%add3A_4] : memref<819200xi32, #tpu.memory_space<hbm>> -> memref<640xi32, #tpu.memory_space<hbm>>
    %dma_start3A_5 = tpu.memref_slice %arg2[%add3A_4] : memref<819200xi32, #tpu.memory_space<hbm>> -> memref<640xi32, #tpu.memory_space<hbm>>
    tpu.enqueue_dma source(%dma_start3A_5 : memref<640xi32, #tpu.memory_space<hbm>>) target(%arg6 : memref<640xi32, #tpu.memory_space<vmem>>) target_semaphore(%arg14 : memref<!tpu.dma_semaphore, #tpu.memory_space<semaphore_mem>>)
    %dma_start3A_6 = tpu.memref_slice %arg3[%add3A_4] : memref<819200xi32, #tpu.memory_space<hbm>> -> memref<640xi32, #tpu.memory_space<hbm>>
    %dma_start3A_7 = tpu.memref_slice %arg3[%add3A_4] : memref<819200xi32, #tpu.memory_space<hbm>> -> memref<640xi32, #tpu.memory_space<hbm>>
    tpu.enqueue_dma source(%dma_start3A_7 : memref<640xi32, #tpu.memory_space<hbm>>) target(%arg8 : memref<640xi32, #tpu.memory_space<vmem>>) target_semaphore(%arg14 : memref<!tpu.dma_semaphore, #tpu.memory_space<semaphore_mem>>)
    %add3A_8 = arith.constant 0 : i32
    %add3A_9 = arith.addi %mul3A_2, %add3A_8 : i32
    %dma_wait3A = tpu.memref_slice %arg2[%add3A_9] : memref<819200xi32, #tpu.memory_space<hbm>> -> memref<640xi32, #tpu.memory_space<hbm>>
    %dma_wait3A_10 = tpu.memref_slice %arg2[%add3A_9] : memref<819200xi32, #tpu.memory_space<hbm>> -> memref<640xi32, #tpu.memory_space<hbm>>
    tpu.wait_dma2 semaphore(%arg14 : memref<!tpu.dma_semaphore, #tpu.memory_space<semaphore_mem>>) src(%dma_wait3A_10 : memref<640xi32, #tpu.memory_space<hbm>>) dst(%arg6 : memref<640xi32, #tpu.memory_space<vmem>>)
    %dma_wait3A_11 = tpu.memref_slice %arg3[%add3A_9] : memref<819200xi32, #tpu.memory_space<hbm>> -> memref<640xi32, #tpu.memory_space<hbm>>
    %dma_wait3A_12 = tpu.memref_slice %arg3[%add3A_9] : memref<819200xi32, #tpu.memory_space<hbm>> -> memref<640xi32, #tpu.memory_space<hbm>>
    tpu.wait_dma2 semaphore(%arg14 : memref<!tpu.dma_semaphore, #tpu.memory_space<semaphore_mem>>) src(%dma_wait3A_12 : memref<640xi32, #tpu.memory_space<hbm>>) dst(%arg8 : memref<640xi32, #tpu.memory_space<vmem>>)
    %scan3A = arith.constant 0 : i32
    %scan3A_13 = arith.constant 0 : i32
    %scan3A_14 = arith.constant 40 : i32
    %scan3A_15 = arith.addi %scan3A_13, %scan3A_14 : i32
    %scan3A_16 = arith.constant 1 : i32
    scf.for %scan3A_206 = %scan3A_13 to %scan3A_15 step %scan3A_16  : i32 {
      %mul3A_207 = arith.constant 16 : i32
      %mul3A_208 = arith.muli %scan3A_206, %mul3A_207 : i32
      %get3A = arith.index_cast %mul3A_208 : i32 to index
      %get3A_209 = tpu.vector_load %arg8[%get3A] {strides = array<i32>} : memref<640xi32, #tpu.memory_space<vmem>>, vector<16xi32>,
      %get3A_210 = vector.shape_cast %get3A_209 : vector<16xi32> to vector<16xi32>
      %mul3A_211 = arith.constant 100000 : i32
      %mul3A_212 = vector.broadcast %mul3A_211 : i32 to vector<16xi32>
      %mul3A_213 = arith.muli %get3A_210, %mul3A_212 : vector<16xi32>
      %get3A_214 = arith.index_cast %mul3A_208 : i32 to index
      %get3A_215 = tpu.vector_load %arg6[%get3A_214] {strides = array<i32>} : memref<640xi32, #tpu.memory_space<vmem>>, vector<16xi32>,
      %get3A_216 = vector.shape_cast %get3A_215 : vector<16xi32> to vector<16xi32>
      %add3A_217 = arith.addi %mul3A_213, %get3A_216 : vector<16xi32>
      %swap3A = arith.index_cast %mul3A_208 : i32 to index
      %swap3A_218 = tpu.vector_load %arg10[%swap3A] {strides = array<i32>} : memref<640xi32, #tpu.memory_space<vmem>>, vector<16xi32>,
      %swap3A_219 = vector.shape_cast %swap3A_218 : vector<16xi32> to vector<16xi32>
      %swap3A_220 = vector.shape_cast %add3A_217 : vector<16xi32> to vector<16xi32>
      tpu.vector_store %arg10[%swap3A], %swap3A_220 {strides = array<i32>} : memref<640xi32, #tpu.memory_space<vmem>>, vector<16xi32>,
    }
    %scan3A_17 = arith.constant 40 : i32
    %dma_start3A_18 = arith.constant 0 : i32
    %dma_start3A_19 = arith.constant 0 : i32
    %dma_start3A_20 = tpu.memref_slice %arg12[%dma_start3A_18, %dma_start3A_19] : memref<640x64xf32, #tpu.memory_space<vmem>> -> memref<128x64xf32, #tpu.memory_space<vmem>>
    %dma_start3A_21 = arith.constant 0 : i32
    %dma_start3A_22 = tpu.memref_slice %arg10[%dma_start3A_21] : memref<640xi32, #tpu.memory_space<vmem>> -> memref<128xi32, #tpu.memory_space<vmem>>
    %dma_start3A_23 = arith.constant 0 : i32
    %dma_start3A_24 = arith.constant 0 : i32
    %dma_start3A_25 = tpu.memref_slice %arg4[%dma_start3A_23, %dma_start3A_24] : memref<300000x64xf32, #tpu.memory_space<hbm>> -> memref<300000x64xf32, #tpu.memory_space<hbm>>
    tpu.enqueue_indirect_dma source(%dma_start3A_25 : memref<300000x64xf32, #tpu.memory_space<hbm>>) target(%dma_start3A_20 : memref<128x64xf32, #tpu.memory_space<vmem>>) offsets(%dma_start3A_22 : memref<128xi32, #tpu.memory_space<vmem>>) semaphore(%arg16 : memref<!tpu.dma_semaphore, #tpu.memory_space<semaphore_mem>>)
    %dma_start3A_26 = arith.constant 128 : i32
    %dma_start3A_27 = arith.constant 0 : i32
    %dma_start3A_28 = tpu.memref_slice %arg12[%dma_start3A_26, %dma_start3A_27] : memref<640x64xf32, #tpu.memory_space<vmem>> -> memref<128x64xf32, #tpu.memory_space<vmem>>
    %dma_start3A_29 = arith.constant 128 : i32
    %dma_start3A_30 = tpu.memref_slice %arg10[%dma_start3A_29] : memref<640xi32, #tpu.memory_space<vmem>> -> memref<128xi32, #tpu.memory_space<vmem>>
    %dma_start3A_31 = arith.constant 0 : i32
    %dma_start3A_32 = arith.constant 0 : i32
    %dma_start3A_33 = tpu.memref_slice %arg4[%dma_start3A_31, %dma_start3A_32] : memref<300000x64xf32, #tpu.memory_space<hbm>> -> memref<300000x64xf32, #tpu.memory_space<hbm>>
    tpu.enqueue_indirect_dma source(%dma_start3A_33 : memref<300000x64xf32, #tpu.memory_space<hbm>>) target(%dma_start3A_28 : memref<128x64xf32, #tpu.memory_space<vmem>>) offsets(%dma_start3A_30 : memref<128xi32, #tpu.memory_space<vmem>>) semaphore(%arg16 : memref<!tpu.dma_semaphore, #tpu.memory_space<semaphore_mem>>)
    %dma_start3A_34 = arith.constant 256 : i32
    %dma_start3A_35 = arith.constant 0 : i32
    %dma_start3A_36 = tpu.memref_slice %arg12[%dma_start3A_34, %dma_start3A_35] : memref<640x64xf32, #tpu.memory_space<vmem>> -> memref<128x64xf32, #tpu.memory_space<vmem>>
    %dma_start3A_37 = arith.constant 256 : i32
    %dma_start3A_38 = tpu.memref_slice %arg10[%dma_start3A_37] : memref<640xi32, #tpu.memory_space<vmem>> -> memref<128xi32, #tpu.memory_space<vmem>>
    %dma_start3A_39 = arith.constant 0 : i32
    %dma_start3A_40 = arith.constant 0 : i32
    %dma_start3A_41 = tpu.memref_slice %arg4[%dma_start3A_39, %dma_start3A_40] : memref<300000x64xf32, #tpu.memory_space<hbm>> -> memref<300000x64xf32, #tpu.memory_space<hbm>>
    tpu.enqueue_indirect_dma source(%dma_start3A_41 : memref<300000x64xf32, #tpu.memory_space<hbm>>) target(%dma_start3A_36 : memref<128x64xf32, #tpu.memory_space<vmem>>) offsets(%dma_start3A_38 : memref<128xi32, #tpu.memory_space<vmem>>) semaphore(%arg16 : memref<!tpu.dma_semaphore, #tpu.memory_space<semaphore_mem>>)
    %dma_start3A_42 = arith.constant 384 : i32
    %dma_start3A_43 = arith.constant 0 : i32
    %dma_start3A_44 = tpu.memref_slice %arg12[%dma_start3A_42, %dma_start3A_43] : memref<640x64xf32, #tpu.memory_space<vmem>> -> memref<128x64xf32, #tpu.memory_space<vmem>>
    %dma_start3A_45 = arith.constant 384 : i32
    %dma_start3A_46 = tpu.memref_slice %arg10[%dma_start3A_45] : memref<640xi32, #tpu.memory_space<vmem>> -> memref<128xi32, #tpu.memory_space<vmem>>
    %dma_start3A_47 = arith.constant 0 : i32
    %dma_start3A_48 = arith.constant 0 : i32
    %dma_start3A_49 = tpu.memref_slice %arg4[%dma_start3A_47, %dma_start3A_48] : memref<300000x64xf32, #tpu.memory_space<hbm>> -> memref<300000x64xf32, #tpu.memory_space<hbm>>
    tpu.enqueue_indirect_dma source(%dma_start3A_49 : memref<300000x64xf32, #tpu.memory_space<hbm>>) target(%dma_start3A_44 : memref<128x64xf32, #tpu.memory_space<vmem>>) offsets(%dma_start3A_46 : memref<128xi32, #tpu.memory_space<vmem>>) semaphore(%arg16 : memref<!tpu.dma_semaphore, #tpu.memory_space<semaphore_mem>>)
    %dma_start3A_50 = arith.constant 512 : i32
    %dma_start3A_51 = arith.constant 0 : i32
    %dma_start3A_52 = tpu.memref_slice %arg12[%dma_start3A_50, %dma_start3A_51] : memref<640x64xf32, #tpu.memory_space<vmem>> -> memref<128x64xf32, #tpu.memory_space<vmem>>
    %dma_start3A_53 = arith.constant 512 : i32
    %dma_start3A_54 = tpu.memref_slice %arg10[%dma_start3A_53] : memref<640xi32, #tpu.memory_space<vmem>> -> memref<128xi32, #tpu.memory_space<vmem>>
    %dma_start3A_55 = arith.constant 0 : i32
    %dma_start3A_56 = arith.constant 0 : i32
    %dma_start3A_57 = tpu.memref_slice %arg4[%dma_start3A_55, %dma_start3A_56] : memref<300000x64xf32, #tpu.memory_space<hbm>> -> memref<300000x64xf32, #tpu.memory_space<hbm>>
    tpu.enqueue_indirect_dma source(%dma_start3A_57 : memref<300000x64xf32, #tpu.memory_space<hbm>>) target(%dma_start3A_52 : memref<128x64xf32, #tpu.memory_space<vmem>>) offsets(%dma_start3A_54 : memref<128xi32, #tpu.memory_space<vmem>>) semaphore(%arg16 : memref<!tpu.dma_semaphore, #tpu.memory_space<semaphore_mem>>)
    %add3A_58 = arith.constant 640 : i32
    %add3A_59 = arith.addi %mul3A_2, %add3A_58 : i32
    %dma_start3A_60 = tpu.memref_slice %arg2[%add3A_59] : memref<819200xi32, #tpu.memory_space<hbm>> -> memref<640xi32, #tpu.memory_space<hbm>>
    %dma_start3A_61 = tpu.memref_slice %arg2[%add3A_59] : memref<819200xi32, #tpu.memory_space<hbm>> -> memref<640xi32, #tpu.memory_space<hbm>>
    tpu.enqueue_dma source(%dma_start3A_61 : memref<640xi32, #tpu.memory_space<hbm>>) target(%arg7 : memref<640xi32, #tpu.memory_space<vmem>>) target_semaphore(%arg15 : memref<!tpu.dma_semaphore, #tpu.memory_space<semaphore_mem>>)
    %dma_start3A_62 = tpu.memref_slice %arg3[%add3A_59] : memref<819200xi32, #tpu.memory_space<hbm>> -> memref<640xi32, #tpu.memory_space<hbm>>
    %dma_start3A_63 = tpu.memref_slice %arg3[%add3A_59] : memref<819200xi32, #tpu.memory_space<hbm>> -> memref<640xi32, #tpu.memory_space<hbm>>
    tpu.enqueue_dma source(%dma_start3A_63 : memref<640xi32, #tpu.memory_space<hbm>>) target(%arg9 : memref<640xi32, #tpu.memory_space<vmem>>) target_semaphore(%arg15 : memref<!tpu.dma_semaphore, #tpu.memory_space<semaphore_mem>>)
    %scan3A_64 = arith.constant 0 : i32
    %scan3A_65 = arith.constant 0 : i32
    %scan3A_66 = arith.constant 19 : i32
    %scan3A_67 = arith.addi %scan3A_65, %scan3A_66 : i32
    %scan3A_68 = arith.constant 1 : i32
    scf.for %scan3A_206 = %scan3A_65 to %scan3A_67 step %scan3A_68  : i32 {
      %mul3A_207 = arith.constant 2 : i32
      %mul3A_208 = arith.muli %mul3A_207, %scan3A_206 : i32
      %add3A_209 = arith.constant 1 : i32
      %add3A_210 = arith.addi %mul3A_208, %add3A_209 : i32
      %mul3A_211 = arith.constant 640 : i32
      %mul3A_212 = arith.muli %add3A_210, %mul3A_211 : i32
      %add3A_213 = arith.addi %mul3A_2, %mul3A_212 : i32
      %dma_wait3A_214 = tpu.memref_slice %arg2[%add3A_213] : memref<819200xi32, #tpu.memory_space<hbm>> -> memref<640xi32, #tpu.memory_space<hbm>>
      %dma_wait3A_215 = tpu.memref_slice %arg2[%add3A_213] : memref<819200xi32, #tpu.memory_space<hbm>> -> memref<640xi32, #tpu.memory_space<hbm>>
      tpu.wait_dma2 semaphore(%arg15 : memref<!tpu.dma_semaphore, #tpu.memory_space<semaphore_mem>>) src(%dma_wait3A_215 : memref<640xi32, #tpu.memory_space<hbm>>) dst(%arg7 : memref<640xi32, #tpu.memory_space<vmem>>)
      %dma_wait3A_216 = tpu.memref_slice %arg3[%add3A_213] : memref<819200xi32, #tpu.memory_space<hbm>> -> memref<640xi32, #tpu.memory_space<hbm>>
      %dma_wait3A_217 = tpu.memref_slice %arg3[%add3A_213] : memref<819200xi32, #tpu.memory_space<hbm>> -> memref<640xi32, #tpu.memory_space<hbm>>
      tpu.wait_dma2 semaphore(%arg15 : memref<!tpu.dma_semaphore, #tpu.memory_space<semaphore_mem>>) src(%dma_wait3A_217 : memref<640xi32, #tpu.memory_space<hbm>>) dst(%arg9 : memref<640xi32, #tpu.memory_space<vmem>>)
      %scan3A_218 = arith.constant 0 : i32
      %scan3A_219 = arith.constant 0 : i32
      %scan3A_220 = arith.constant 40 : i32
      %scan3A_221 = arith.addi %scan3A_219, %scan3A_220 : i32
      %scan3A_222 = arith.constant 1 : i32
      scf.for %scan3A_421 = %scan3A_219 to %scan3A_221 step %scan3A_222  : i32 {
        %mul3A_422 = arith.constant 16 : i32
        %mul3A_423 = arith.muli %scan3A_421, %mul3A_422 : i32
        %get3A = arith.index_cast %mul3A_423 : i32 to index
        %get3A_424 = tpu.vector_load %arg9[%get3A] {strides = array<i32>} : memref<640xi32, #tpu.memory_space<vmem>>, vector<16xi32>,
        %get3A_425 = vector.shape_cast %get3A_424 : vector<16xi32> to vector<16xi32>
        %mul3A_426 = arith.constant 100000 : i32
        %mul3A_427 = vector.broadcast %mul3A_426 : i32 to vector<16xi32>
        %mul3A_428 = arith.muli %get3A_425, %mul3A_427 : vector<16xi32>
        %get3A_429 = arith.index_cast %mul3A_423 : i32 to index
        %get3A_430 = tpu.vector_load %arg7[%get3A_429] {strides = array<i32>} : memref<640xi32, #tpu.memory_space<vmem>>, vector<16xi32>,
        %get3A_431 = vector.shape_cast %get3A_430 : vector<16xi32> to vector<16xi32>
        %add3A_432 = arith.addi %mul3A_428, %get3A_431 : vector<16xi32>
        %swap3A = arith.index_cast %mul3A_423 : i32 to index
        %swap3A_433 = tpu.vector_load %arg11[%swap3A] {strides = array<i32>} : memref<640xi32, #tpu.memory_space<vmem>>, vector<16xi32>,
        %swap3A_434 = vector.shape_cast %swap3A_433 : vector<16xi32> to vector<16xi32>
        %swap3A_435 = vector.shape_cast %add3A_432 : vector<16xi32> to vector<16xi32>
        tpu.vector_store %arg11[%swap3A], %swap3A_435 {strides = array<i32>} : memref<640xi32, #tpu.memory_space<vmem>>, vector<16xi32>,
      }
      %scan3A_223 = arith.constant 40 : i32
      %dma_start3A_224 = arith.constant 0 : i32
      %dma_start3A_225 = arith.constant 0 : i32
      %dma_start3A_226 = tpu.memref_slice %arg13[%dma_start3A_224, %dma_start3A_225] : memref<640x64xf32, #tpu.memory_space<vmem>> -> memref<128x64xf32, #tpu.memory_space<vmem>>
      %dma_start3A_227 = arith.constant 0 : i32
      %dma_start3A_228 = tpu.memref_slice %arg11[%dma_start3A_227] : memref<640xi32, #tpu.memory_space<vmem>> -> memref<128xi32, #tpu.memory_space<vmem>>
      %dma_start3A_229 = arith.constant 0 : i32
      %dma_start3A_230 = arith.constant 0 : i32
      %dma_start3A_231 = tpu.memref_slice %arg4[%dma_start3A_229, %dma_start3A_230] : memref<300000x64xf32, #tpu.memory_space<hbm>> -> memref<300000x64xf32, #tpu.memory_space<hbm>>
      tpu.enqueue_indirect_dma source(%dma_start3A_231 : memref<300000x64xf32, #tpu.memory_space<hbm>>) target(%dma_start3A_226 : memref<128x64xf32, #tpu.memory_space<vmem>>) offsets(%dma_start3A_228 : memref<128xi32, #tpu.memory_space<vmem>>) semaphore(%arg17 : memref<!tpu.dma_semaphore, #tpu.memory_space<semaphore_mem>>)
      %dma_start3A_232 = arith.constant 128 : i32
      %dma_start3A_233 = arith.constant 0 : i32
      %dma_start3A_234 = tpu.memref_slice %arg13[%dma_start3A_232, %dma_start3A_233] : memref<640x64xf32, #tpu.memory_space<vmem>> -> memref<128x64xf32, #tpu.memory_space<vmem>>
      %dma_start3A_235 = arith.constant 128 : i32
      %dma_start3A_236 = tpu.memref_slice %arg11[%dma_start3A_235] : memref<640xi32, #tpu.memory_space<vmem>> -> memref<128xi32, #tpu.memory_space<vmem>>
      %dma_start3A_237 = arith.constant 0 : i32
      %dma_start3A_238 = arith.constant 0 : i32
      %dma_start3A_239 = tpu.memref_slice %arg4[%dma_start3A_237, %dma_start3A_238] : memref<300000x64xf32, #tpu.memory_space<hbm>> -> memref<300000x64xf32, #tpu.memory_space<hbm>>
      tpu.enqueue_indirect_dma source(%dma_start3A_239 : memref<300000x64xf32, #tpu.memory_space<hbm>>) target(%dma_start3A_234 : memref<128x64xf32, #tpu.memory_space<vmem>>) offsets(%dma_start3A_236 : memref<128xi32, #tpu.memory_space<vmem>>) semaphore(%arg17 : memref<!tpu.dma_semaphore, #tpu.memory_space<semaphore_mem>>)
      %dma_start3A_240 = arith.constant 256 : i32
      %dma_start3A_241 = arith.constant 0 : i32
      %dma_start3A_242 = tpu.memref_slice %arg13[%dma_start3A_240, %dma_start3A_241] : memref<640x64xf32, #tpu.memory_space<vmem>> -> memref<128x64xf32, #tpu.memory_space<vmem>>
      %dma_start3A_243 = arith.constant 256 : i32
      %dma_start3A_244 = tpu.memref_slice %arg11[%dma_start3A_243] : memref<640xi32, #tpu.memory_space<vmem>> -> memref<128xi32, #tpu.memory_space<vmem>>
      %dma_start3A_245 = arith.constant 0 : i32
      %dma_start3A_246 = arith.constant 0 : i32
      %dma_start3A_247 = tpu.memref_slice %arg4[%dma_start3A_245, %dma_start3A_246] : memref<300000x64xf32, #tpu.memory_space<hbm>> -> memref<300000x64xf32, #tpu.memory_space<hbm>>
      tpu.enqueue_indirect_dma source(%dma_start3A_247 : memref<300000x64xf32, #tpu.memory_space<hbm>>) target(%dma_start3A_242 : memref<128x64xf32, #tpu.memory_space<vmem>>) offsets(%dma_start3A_244 : memref<128xi32, #tpu.memory_space<vmem>>) semaphore(%arg17 : memref<!tpu.dma_semaphore, #tpu.memory_space<semaphore_mem>>)
      %dma_start3A_248 = arith.constant 384 : i32
      %dma_start3A_249 = arith.constant 0 : i32
      %dma_start3A_250 = tpu.memref_slice %arg13[%dma_start3A_248, %dma_start3A_249] : memref<640x64xf32, #tpu.memory_space<vmem>> -> memref<128x64xf32, #tpu.memory_space<vmem>>
      %dma_start3A_251 = arith.constant 384 : i32
      %dma_start3A_252 = tpu.memref_slice %arg11[%dma_start3A_251] : memref<640xi32, #tpu.memory_space<vmem>> -> memref<128xi32, #tpu.memory_space<vmem>>
      %dma_start3A_253 = arith.constant 0 : i32
      %dma_start3A_254 = arith.constant 0 : i32
      %dma_start3A_255 = tpu.memref_slice %arg4[%dma_start3A_253, %dma_start3A_254] : memref<300000x64xf32, #tpu.memory_space<hbm>> -> memref<300000x64xf32, #tpu.memory_space<hbm>>
      tpu.enqueue_indirect_dma source(%dma_start3A_255 : memref<300000x64xf32, #tpu.memory_space<hbm>>) target(%dma_start3A_250 : memref<128x64xf32, #tpu.memory_space<vmem>>) offsets(%dma_start3A_252 : memref<128xi32, #tpu.memory_space<vmem>>) semaphore(%arg17 : memref<!tpu.dma_semaphore, #tpu.memory_space<semaphore_mem>>)
      %dma_start3A_256 = arith.constant 512 : i32
      %dma_start3A_257 = arith.constant 0 : i32
      %dma_start3A_258 = tpu.memref_slice %arg13[%dma_start3A_256, %dma_start3A_257] : memref<640x64xf32, #tpu.memory_space<vmem>> -> memref<128x64xf32, #tpu.memory_space<vmem>>
      %dma_start3A_259 = arith.constant 512 : i32
      %dma_start3A_260 = tpu.memref_slice %arg11[%dma_start3A_259] : memref<640xi32, #tpu.memory_space<vmem>> -> memref<128xi32, #tpu.memory_space<vmem>>
      %dma_start3A_261 = arith.constant 0 : i32
      %dma_start3A_262 = arith.constant 0 : i32
      %dma_start3A_263 = tpu.memref_slice %arg4[%dma_start3A_261, %dma_start3A_262] : memref<300000x64xf32, #tpu.memory_space<hbm>> -> memref<300000x64xf32, #tpu.memory_space<hbm>>
      tpu.enqueue_indirect_dma source(%dma_start3A_263 : memref<300000x64xf32, #tpu.memory_space<hbm>>) target(%dma_start3A_258 : memref<128x64xf32, #tpu.memory_space<vmem>>) offsets(%dma_start3A_260 : memref<128xi32, #tpu.memory_space<vmem>>) semaphore(%arg17 : memref<!tpu.dma_semaphore, #tpu.memory_space<semaphore_mem>>)
      %add3A_264 = arith.constant 1 : i32
      %add3A_265 = arith.addi %add3A_210, %add3A_264 : i32
      %mul3A_266 = arith.constant 640 : i32
      %mul3A_267 = arith.muli %add3A_265, %mul3A_266 : i32
      %add3A_268 = arith.addi %mul3A_2, %mul3A_267 : i32
      %dma_start3A_269 = tpu.memref_slice %arg2[%add3A_268] : memref<819200xi32, #tpu.memory_space<hbm>> -> memref<640xi32, #tpu.memory_space<hbm>>
      %dma_start3A_270 = tpu.memref_slice %arg2[%add3A_268] : memref<819200xi32, #tpu.memory_space<hbm>> -> memref<640xi32, #tpu.memory_space<hbm>>
      tpu.enqueue_dma source(%dma_start3A_270 : memref<640xi32, #tpu.memory_space<hbm>>) target(%arg6 : memref<640xi32, #tpu.memory_space<vmem>>) target_semaphore(%arg14 : memref<!tpu.dma_semaphore, #tpu.memory_space<semaphore_mem>>)
      %dma_start3A_271 = tpu.memref_slice %arg3[%add3A_268] : memref<819200xi32, #tpu.memory_space<hbm>> -> memref<640xi32, #tpu.memory_space<hbm>>
      %dma_start3A_272 = tpu.memref_slice %arg3[%add3A_268] : memref<819200xi32, #tpu.memory_space<hbm>> -> memref<640xi32, #tpu.memory_space<hbm>>
      tpu.enqueue_dma source(%dma_start3A_272 : memref<640xi32, #tpu.memory_space<hbm>>) target(%arg8 : memref<640xi32, #tpu.memory_space<vmem>>) target_semaphore(%arg14 : memref<!tpu.dma_semaphore, #tpu.memory_space<semaphore_mem>>)
      %dma_wait3A_273 = arith.constant 0 : i32
      %dma_wait3A_274 = arith.constant 0 : i32
      %dma_wait3A_275 = tpu.memref_slice %arg12[%dma_wait3A_273, %dma_wait3A_274] : memref<640x64xf32, #tpu.memory_space<vmem>> -> memref<128x64xf32, #tpu.memory_space<vmem>>
      %dma_wait3A_276 = arith.constant 0 : i32
      %dma_wait3A_277 = tpu.memref_slice %arg10[%dma_wait3A_276] : memref<640xi32, #tpu.memory_space<vmem>> -> memref<128xi32, #tpu.memory_space<vmem>>
      %dma_wait3A_278 = arith.constant 0 : i32
      %dma_wait3A_279 = arith.constant 0 : i32
      %dma_wait3A_280 = tpu.memref_slice %arg4[%dma_wait3A_278, %dma_wait3A_279] : memref<300000x64xf32, #tpu.memory_space<hbm>> -> memref<300000x64xf32, #tpu.memory_space<hbm>>
      tpu.wait_indirect_dma semaphore(%arg16 : memref<!tpu.dma_semaphore, #tpu.memory_space<semaphore_mem>>) src(%dma_wait3A_280 : memref<300000x64xf32, #tpu.memory_space<hbm>>) dst(%dma_wait3A_275 : memref<128x64xf32, #tpu.memory_space<vmem>>)
      %dma_wait3A_281 = arith.constant 128 : i32
      %dma_wait3A_282 = arith.constant 0 : i32
      %dma_wait3A_283 = tpu.memref_slice %arg12[%dma_wait3A_281, %dma_wait3A_282] : memref<640x64xf32, #tpu.memory_space<vmem>> -> memref<128x64xf32, #tpu.memory_space<vmem>>
      %dma_wait3A_284 = arith.constant 128 : i32
      %dma_wait3A_285 = tpu.memref_slice %arg10[%dma_wait3A_284] : memref<640xi32, #tpu.memory_space<vmem>> -> memref<128xi32, #tpu.memory_space<vmem>>
      %dma_wait3A_286 = arith.constant 0 : i32
      %dma_wait3A_287 = arith.constant 0 : i32
      %dma_wait3A_288 = tpu.memref_slice %arg4[%dma_wait3A_286, %dma_wait3A_287] : memref<300000x64xf32, #tpu.memory_space<hbm>> -> memref<300000x64xf32, #tpu.memory_space<hbm>>
      tpu.wait_indirect_dma semaphore(%arg16 : memref<!tpu.dma_semaphore, #tpu.memory_space<semaphore_mem>>) src(%dma_wait3A_288 : memref<300000x64xf32, #tpu.memory_space<hbm>>) dst(%dma_wait3A_283 : memref<128x64xf32, #tpu.memory_space<vmem>>)
      %dma_wait3A_289 = arith.constant 256 : i32
      %dma_wait3A_290 = arith.constant 0 : i32
      %dma_wait3A_291 = tpu.memref_slice %arg12[%dma_wait3A_289, %dma_wait3A_290] : memref<640x64xf32, #tpu.memory_space<vmem>> -> memref<128x64xf32, #tpu.memory_space<vmem>>
      %dma_wait3A_292 = arith.constant 256 : i32
      %dma_wait3A_293 = tpu.memref_slice %arg10[%dma_wait3A_292] : memref<640xi32, #tpu.memory_space<vmem>> -> memref<128xi32, #tpu.memory_space<vmem>>
      %dma_wait3A_294 = arith.constant 0 : i32
      %dma_wait3A_295 = arith.constant 0 : i32
      %dma_wait3A_296 = tpu.memref_slice %arg4[%dma_wait3A_294, %dma_wait3A_295] : memref<300000x64xf32, #tpu.memory_space<hbm>> -> memref<300000x64xf32, #tpu.memory_space<hbm>>
      tpu.wait_indirect_dma semaphore(%arg16 : memref<!tpu.dma_semaphore, #tpu.memory_space<semaphore_mem>>) src(%dma_wait3A_296 : memref<300000x64xf32, #tpu.memory_space<hbm>>) dst(%dma_wait3A_291 : memref<128x64xf32, #tpu.memory_space<vmem>>)
      %dma_wait3A_297 = arith.constant 384 : i32
      %dma_wait3A_298 = arith.constant 0 : i32
      %dma_wait3A_299 = tpu.memref_slice %arg12[%dma_wait3A_297, %dma_wait3A_298] : memref<640x64xf32, #tpu.memory_space<vmem>> -> memref<128x64xf32, #tpu.memory_space<vmem>>
      %dma_wait3A_300 = arith.constant 384 : i32
      %dma_wait3A_301 = tpu.memref_slice %arg10[%dma_wait3A_300] : memref<640xi32, #tpu.memory_space<vmem>> -> memref<128xi32, #tpu.memory_space<vmem>>
      %dma_wait3A_302 = arith.constant 0 : i32
      %dma_wait3A_303 = arith.constant 0 : i32
      %dma_wait3A_304 = tpu.memref_slice %arg4[%dma_wait3A_302, %dma_wait3A_303] : memref<300000x64xf32, #tpu.memory_space<hbm>> -> memref<300000x64xf32, #tpu.memory_space<hbm>>
      tpu.wait_indirect_dma semaphore(%arg16 : memref<!tpu.dma_semaphore, #tpu.memory_space<semaphore_mem>>) src(%dma_wait3A_304 : memref<300000x64xf32, #tpu.memory_space<hbm>>) dst(%dma_wait3A_299 : memref<128x64xf32, #tpu.memory_space<vmem>>)
      %dma_wait3A_305 = arith.constant 512 : i32
      %dma_wait3A_306 = arith.constant 0 : i32
      %dma_wait3A_307 = tpu.memref_slice %arg12[%dma_wait3A_305, %dma_wait3A_306] : memref<640x64xf32, #tpu.memory_space<vmem>> -> memref<128x64xf32, #tpu.memory_space<vmem>>
      %dma_wait3A_308 = arith.constant 512 : i32
      %dma_wait3A_309 = tpu.memref_slice %arg10[%dma_wait3A_308] : memref<640xi32, #tpu.memory_space<vmem>> -> memref<128xi32, #tpu.memory_space<vmem>>
      %dma_wait3A_310 = arith.constant 0 : i32
      %dma_wait3A_311 = arith.constant 0 : i32
      %dma_wait3A_312 = tpu.memref_slice %arg4[%dma_wait3A_310, %dma_wait3A_311] : memref<300000x64xf32, #tpu.memory_space<hbm>> -> memref<300000x64xf32, #tpu.memory_space<hbm>>
      tpu.wait_indirect_dma semaphore(%arg16 : memref<!tpu.dma_semaphore, #tpu.memory_space<semaphore_mem>>) src(%dma_wait3A_312 : memref<300000x64xf32, #tpu.memory_space<hbm>>) dst(%dma_wait3A_307 : memref<128x64xf32, #tpu.memory_space<vmem>>)
      %sub3A = arith.constant 1 : i32
      %sub3A_313 = arith.subi %add3A_210, %sub3A : i32
      %mul3A_314 = arith.constant 640 : i32
      %mul3A_315 = arith.muli %sub3A_313, %mul3A_314 : i32
      %add3A_316 = arith.addi %mul3A_2, %mul3A_315 : i32
      "tpu.region"() ({
        %run_scoped3A = tpu.sem_alloc : memref<!tpu.dma_semaphore, #tpu.memory_space<semaphore_mem>>
        %dma_start3A_421 = arith.constant 0 : i32
        %dma_start3A_422 = tpu.memref_slice %arg5[%add3A_316, %dma_start3A_421] : memref<819200x128xf32, #tpu.memory_space<hbm>> -> memref<640x64xf32, #tpu.memory_space<hbm>>
        %dma_start3A_423 = arith.constant 0 : i32
        %dma_start3A_424 = tpu.memref_slice %arg5[%add3A_316, %dma_start3A_423] : memref<819200x128xf32, #tpu.memory_space<hbm>> -> memref<640x64xf32, #tpu.memory_space<hbm>>
        tpu.enqueue_dma source(%arg12 : memref<640x64xf32, #tpu.memory_space<vmem>>) target(%dma_start3A_424 : memref<640x64xf32, #tpu.memory_space<hbm>>) target_semaphore(%run_scoped3A : memref<!tpu.dma_semaphore, #tpu.memory_space<semaphore_mem>>)
        %dma_wait3A_425 = arith.constant 0 : i32
        %dma_wait3A_426 = tpu.memref_slice %arg5[%add3A_316, %dma_wait3A_425] : memref<819200x128xf32, #tpu.memory_space<hbm>> -> memref<640x64xf32, #tpu.memory_space<hbm>>
        %dma_wait3A_427 = arith.constant 0 : i32
        %dma_wait3A_428 = tpu.memref_slice %arg5[%add3A_316, %dma_wait3A_427] : memref<819200x128xf32, #tpu.memory_space<hbm>> -> memref<640x64xf32, #tpu.memory_space<hbm>>
        tpu.wait_dma2 semaphore(%run_scoped3A : memref<!tpu.dma_semaphore, #tpu.memory_space<semaphore_mem>>) src(%arg12 : memref<640x64xf32, #tpu.memory_space<vmem>>) dst(%dma_wait3A_428 : memref<640x64xf32, #tpu.memory_space<hbm>>)
        tpu.yield
      }) : () -> ()
      %add3A_317 = arith.constant 1 : i32
      %add3A_318 = arith.addi %add3A_210, %add3A_317 : i32
      %mul3A_319 = arith.constant 640 : i32
      %mul3A_320 = arith.muli %add3A_318, %mul3A_319 : i32
      %add3A_321 = arith.addi %mul3A_2, %mul3A_320 : i32
      %dma_wait3A_322 = tpu.memref_slice %arg2[%add3A_321] : memref<819200xi32, #tpu.memory_space<hbm>> -> memref<640xi32, #tpu.memory_space<hbm>>
      %dma_wait3A_323 = tpu.memref_slice %arg2[%add3A_321] : memref<819200xi32, #tpu.memory_space<hbm>> -> memref<640xi32, #tpu.memory_space<hbm>>
      tpu.wait_dma2 semaphore(%arg14 : memref<!tpu.dma_semaphore, #tpu.memory_space<semaphore_mem>>) src(%dma_wait3A_323 : memref<640xi32, #tpu.memory_space<hbm>>) dst(%arg6 : memref<640xi32, #tpu.memory_space<vmem>>)
      %dma_wait3A_324 = tpu.memref_slice %arg3[%add3A_321] : memref<819200xi32, #tpu.memory_space<hbm>> -> memref<640xi32, #tpu.memory_space<hbm>>
      %dma_wait3A_325 = tpu.memref_slice %arg3[%add3A_321] : memref<819200xi32, #tpu.memory_space<hbm>> -> memref<640xi32, #tpu.memory_space<hbm>>
      tpu.wait_dma2 semaphore(%arg14 : memref<!tpu.dma_semaphore, #tpu.memory_space<semaphore_mem>>) src(%dma_wait3A_325 : memref<640xi32, #tpu.memory_space<hbm>>) dst(%arg8 : memref<640xi32, #tpu.memory_space<vmem>>)
      %scan3A_326 = arith.constant 0 : i32
      %scan3A_327 = arith.constant 0 : i32
      %scan3A_328 = arith.constant 40 : i32
      %scan3A_329 = arith.addi %scan3A_327, %scan3A_328 : i32
      %scan3A_330 = arith.constant 1 : i32
      scf.for %scan3A_421 = %scan3A_327 to %scan3A_329 step %scan3A_330  : i32 {
        %mul3A_422 = arith.constant 16 : i32
        %mul3A_423 = arith.muli %scan3A_421, %mul3A_422 : i32
        %get3A = arith.index_cast %mul3A_423 : i32 to index
        %get3A_424 = tpu.vector_load %arg8[%get3A] {strides = array<i32>} : memref<640xi32, #tpu.memory_space<vmem>>, vector<16xi32>,
        %get3A_425 = vector.shape_cast %get3A_424 : vector<16xi32> to vector<16xi32>
        %mul3A_426 = arith.constant 100000 : i32
        %mul3A_427 = vector.broadcast %mul3A_426 : i32 to vector<16xi32>
        %mul3A_428 = arith.muli %get3A_425, %mul3A_427 : vector<16xi32>
        %get3A_429 = arith.index_cast %mul3A_423 : i32 to index
        %get3A_430 = tpu.vector_load %arg6[%get3A_429] {strides = array<i32>} : memref<640xi32, #tpu.memory_space<vmem>>, vector<16xi32>,
        %get3A_431 = vector.shape_cast %get3A_430 : vector<16xi32> to vector<16xi32>
        %add3A_432 = arith.addi %mul3A_428, %get3A_431 : vector<16xi32>
        %swap3A = arith.index_cast %mul3A_423 : i32 to index
        %swap3A_433 = tpu.vector_load %arg10[%swap3A] {strides = array<i32>} : memref<640xi32, #tpu.memory_space<vmem>>, vector<16xi32>,
        %swap3A_434 = vector.shape_cast %swap3A_433 : vector<16xi32> to vector<16xi32>
        %swap3A_435 = vector.shape_cast %add3A_432 : vector<16xi32> to vector<16xi32>
        tpu.vector_store %arg10[%swap3A], %swap3A_435 {strides = array<i32>} : memref<640xi32, #tpu.memory_space<vmem>>, vector<16xi32>,
      }
      %scan3A_331 = arith.constant 40 : i32
      %dma_start3A_332 = arith.constant 0 : i32
      %dma_start3A_333 = arith.constant 0 : i32
      %dma_start3A_334 = tpu.memref_slice %arg12[%dma_start3A_332, %dma_start3A_333] : memref<640x64xf32, #tpu.memory_space<vmem>> -> memref<128x64xf32, #tpu.memory_space<vmem>>
      %dma_start3A_335 = arith.constant 0 : i32
      %dma_start3A_336 = tpu.memref_slice %arg10[%dma_start3A_335] : memref<640xi32, #tpu.memory_space<vmem>> -> memref<128xi32, #tpu.memory_space<vmem>>
      %dma_start3A_337 = arith.constant 0 : i32
      %dma_start3A_338 = arith.constant 0 : i32
      %dma_start3A_339 = tpu.memref_slice %arg4[%dma_start3A_337, %dma_start3A_338] : memref<300000x64xf32, #tpu.memory_space<hbm>> -> memref<300000x64xf32, #tpu.memory_space<hbm>>
      tpu.enqueue_indirect_dma source(%dma_start3A_339 : memref<300000x64xf32, #tpu.memory_space<hbm>>) target(%dma_start3A_334 : memref<128x64xf32, #tpu.memory_space<vmem>>) offsets(%dma_start3A_336 : memref<128xi32, #tpu.memory_space<vmem>>) semaphore(%arg16 : memref<!tpu.dma_semaphore, #tpu.memory_space<semaphore_mem>>)
      %dma_start3A_340 = arith.constant 128 : i32
      %dma_start3A_341 = arith.constant 0 : i32
      %dma_start3A_342 = tpu.memref_slice %arg12[%dma_start3A_340, %dma_start3A_341] : memref<640x64xf32, #tpu.memory_space<vmem>> -> memref<128x64xf32, #tpu.memory_space<vmem>>
      %dma_start3A_343 = arith.constant 128 : i32
      %dma_start3A_344 = tpu.memref_slice %arg10[%dma_start3A_343] : memref<640xi32, #tpu.memory_space<vmem>> -> memref<128xi32, #tpu.memory_space<vmem>>
      %dma_start3A_345 = arith.constant 0 : i32
      %dma_start3A_346 = arith.constant 0 : i32
      %dma_start3A_347 = tpu.memref_slice %arg4[%dma_start3A_345, %dma_start3A_346] : memref<300000x64xf32, #tpu.memory_space<hbm>> -> memref<300000x64xf32, #tpu.memory_space<hbm>>
      tpu.enqueue_indirect_dma source(%dma_start3A_347 : memref<300000x64xf32, #tpu.memory_space<hbm>>) target(%dma_start3A_342 : memref<128x64xf32, #tpu.memory_space<vmem>>) offsets(%dma_start3A_344 : memref<128xi32, #tpu.memory_space<vmem>>) semaphore(%arg16 : memref<!tpu.dma_semaphore, #tpu.memory_space<semaphore_mem>>)
      %dma_start3A_348 = arith.constant 256 : i32
      %dma_start3A_349 = arith.constant 0 : i32
      %dma_start3A_350 = tpu.memref_slice %arg12[%dma_start3A_348, %dma_start3A_349] : memref<640x64xf32, #tpu.memory_space<vmem>> -> memref<128x64xf32, #tpu.memory_space<vmem>>
      %dma_start3A_351 = arith.constant 256 : i32
      %dma_start3A_352 = tpu.memref_slice %arg10[%dma_start3A_351] : memref<640xi32, #tpu.memory_space<vmem>> -> memref<128xi32, #tpu.memory_space<vmem>>
      %dma_start3A_353 = arith.constant 0 : i32
      %dma_start3A_354 = arith.constant 0 : i32
      %dma_start3A_355 = tpu.memref_slice %arg4[%dma_start3A_353, %dma_start3A_354] : memref<300000x64xf32, #tpu.memory_space<hbm>> -> memref<300000x64xf32, #tpu.memory_space<hbm>>
      tpu.enqueue_indirect_dma source(%dma_start3A_355 : memref<300000x64xf32, #tpu.memory_space<hbm>>) target(%dma_start3A_350 : memref<128x64xf32, #tpu.memory_space<vmem>>) offsets(%dma_start3A_352 : memref<128xi32, #tpu.memory_space<vmem>>) semaphore(%arg16 : memref<!tpu.dma_semaphore, #tpu.memory_space<semaphore_mem>>)
      %dma_start3A_356 = arith.constant 384 : i32
      %dma_start3A_357 = arith.constant 0 : i32
      %dma_start3A_358 = tpu.memref_slice %arg12[%dma_start3A_356, %dma_start3A_357] : memref<640x64xf32, #tpu.memory_space<vmem>> -> memref<128x64xf32, #tpu.memory_space<vmem>>
      %dma_start3A_359 = arith.constant 384 : i32
      %dma_start3A_360 = tpu.memref_slice %arg10[%dma_start3A_359] : memref<640xi32, #tpu.memory_space<vmem>> -> memref<128xi32, #tpu.memory_space<vmem>>
      %dma_start3A_361 = arith.constant 0 : i32
      %dma_start3A_362 = arith.constant 0 : i32
      %dma_start3A_363 = tpu.memref_slice %arg4[%dma_start3A_361, %dma_start3A_362] : memref<300000x64xf32, #tpu.memory_space<hbm>> -> memref<300000x64xf32, #tpu.memory_space<hbm>>
      tpu.enqueue_indirect_dma source(%dma_start3A_363 : memref<300000x64xf32, #tpu.memory_space<hbm>>) target(%dma_start3A_358 : memref<128x64xf32, #tpu.memory_space<vmem>>) offsets(%dma_start3A_360 : memref<128xi32, #tpu.memory_space<vmem>>) semaphore(%arg16 : memref<!tpu.dma_semaphore, #tpu.memory_space<semaphore_mem>>)
      %dma_start3A_364 = arith.constant 512 : i32
      %dma_start3A_365 = arith.constant 0 : i32
      %dma_start3A_366 = tpu.memref_slice %arg12[%dma_start3A_364, %dma_start3A_365] : memref<640x64xf32, #tpu.memory_space<vmem>> -> memref<128x64xf32, #tpu.memory_space<vmem>>
      %dma_start3A_367 = arith.constant 512 : i32
      %dma_start3A_368 = tpu.memref_slice %arg10[%dma_start3A_367] : memref<640xi32, #tpu.memory_space<vmem>> -> memref<128xi32, #tpu.memory_space<vmem>>
      %dma_start3A_369 = arith.constant 0 : i32
      %dma_start3A_370 = arith.constant 0 : i32
      %dma_start3A_371 = tpu.memref_slice %arg4[%dma_start3A_369, %dma_start3A_370] : memref<300000x64xf32, #tpu.memory_space<hbm>> -> memref<300000x64xf32, #tpu.memory_space<hbm>>
      tpu.enqueue_indirect_dma source(%dma_start3A_371 : memref<300000x64xf32, #tpu.memory_space<hbm>>) target(%dma_start3A_366 : memref<128x64xf32, #tpu.memory_space<vmem>>) offsets(%dma_start3A_368 : memref<128xi32, #tpu.memory_space<vmem>>) semaphore(%arg16 : memref<!tpu.dma_semaphore, #tpu.memory_space<semaphore_mem>>)
      %add3A_372 = arith.constant 1 : i32
      %add3A_373 = arith.addi %add3A_318, %add3A_372 : i32
      %lt3A = arith.constant 40 : i32
      %lt3A_374 = arith.cmpi slt, %add3A_373, %lt3A : i32
      %convert_element_type3A = arith.extui %lt3A_374 : i1 to i32
      %cond3A = arith.constant 0 : i32
      %cond3A_375 = arith.cmpi ne, %convert_element_type3A, %cond3A : i32
      scf.if %cond3A_375 {
        %add3A_421 = arith.constant 1 : i32
        %add3A_422 = arith.addi %add3A_318, %add3A_421 : i32
        %mul3A_423 = arith.constant 640 : i32
        %mul3A_424 = arith.muli %add3A_422, %mul3A_423 : i32
        %add3A_425 = arith.addi %mul3A_2, %mul3A_424 : i32
        %dma_start3A_426 = tpu.memref_slice %arg2[%add3A_425] : memref<819200xi32, #tpu.memory_space<hbm>> -> memref<640xi32, #tpu.memory_space<hbm>>
        %dma_start3A_427 = tpu.memref_slice %arg2[%add3A_425] : memref<819200xi32, #tpu.memory_space<hbm>> -> memref<640xi32, #tpu.memory_space<hbm>>
        tpu.enqueue_dma source(%dma_start3A_427 : memref<640xi32, #tpu.memory_space<hbm>>) target(%arg7 : memref<640xi32, #tpu.memory_space<vmem>>) target_semaphore(%arg15 : memref<!tpu.dma_semaphore, #tpu.memory_space<semaphore_mem>>)
        %dma_start3A_428 = tpu.memref_slice %arg3[%add3A_425] : memref<819200xi32, #tpu.memory_space<hbm>> -> memref<640xi32, #tpu.memory_space<hbm>>
        %dma_start3A_429 = tpu.memref_slice %arg3[%add3A_425] : memref<819200xi32, #tpu.memory_space<hbm>> -> memref<640xi32, #tpu.memory_space<hbm>>
        tpu.enqueue_dma source(%dma_start3A_429 : memref<640xi32, #tpu.memory_space<hbm>>) target(%arg9 : memref<640xi32, #tpu.memory_space<vmem>>) target_semaphore(%arg15 : memref<!tpu.dma_semaphore, #tpu.memory_space<semaphore_mem>>)
      } else {
      }
      %dma_wait3A_376 = arith.constant 0 : i32
      %dma_wait3A_377 = arith.constant 0 : i32
      %dma_wait3A_378 = tpu.memref_slice %arg13[%dma_wait3A_376, %dma_wait3A_377] : memref<640x64xf32, #tpu.memory_space<vmem>> -> memref<128x64xf32, #tpu.memory_space<vmem>>
      %dma_wait3A_379 = arith.constant 0 : i32
      %dma_wait3A_380 = tpu.memref_slice %arg11[%dma_wait3A_379] : memref<640xi32, #tpu.memory_space<vmem>> -> memref<128xi32, #tpu.memory_space<vmem>>
      %dma_wait3A_381 = arith.constant 0 : i32
      %dma_wait3A_382 = arith.constant 0 : i32
      %dma_wait3A_383 = tpu.memref_slice %arg4[%dma_wait3A_381, %dma_wait3A_382] : memref<300000x64xf32, #tpu.memory_space<hbm>> -> memref<300000x64xf32, #tpu.memory_space<hbm>>
      tpu.wait_indirect_dma semaphore(%arg17 : memref<!tpu.dma_semaphore, #tpu.memory_space<semaphore_mem>>) src(%dma_wait3A_383 : memref<300000x64xf32, #tpu.memory_space<hbm>>) dst(%dma_wait3A_378 : memref<128x64xf32, #tpu.memory_space<vmem>>)
      %dma_wait3A_384 = arith.constant 128 : i32
      %dma_wait3A_385 = arith.constant 0 : i32
      %dma_wait3A_386 = tpu.memref_slice %arg13[%dma_wait3A_384, %dma_wait3A_385] : memref<640x64xf32, #tpu.memory_space<vmem>> -> memref<128x64xf32, #tpu.memory_space<vmem>>
      %dma_wait3A_387 = arith.constant 128 : i32
      %dma_wait3A_388 = tpu.memref_slice %arg11[%dma_wait3A_387] : memref<640xi32, #tpu.memory_space<vmem>> -> memref<128xi32, #tpu.memory_space<vmem>>
      %dma_wait3A_389 = arith.constant 0 : i32
      %dma_wait3A_390 = arith.constant 0 : i32
      %dma_wait3A_391 = tpu.memref_slice %arg4[%dma_wait3A_389, %dma_wait3A_390] : memref<300000x64xf32, #tpu.memory_space<hbm>> -> memref<300000x64xf32, #tpu.memory_space<hbm>>
      tpu.wait_indirect_dma semaphore(%arg17 : memref<!tpu.dma_semaphore, #tpu.memory_space<semaphore_mem>>) src(%dma_wait3A_391 : memref<300000x64xf32, #tpu.memory_space<hbm>>) dst(%dma_wait3A_386 : memref<128x64xf32, #tpu.memory_space<vmem>>)
      %dma_wait3A_392 = arith.constant 256 : i32
      %dma_wait3A_393 = arith.constant 0 : i32
      %dma_wait3A_394 = tpu.memref_slice %arg13[%dma_wait3A_392, %dma_wait3A_393] : memref<640x64xf32, #tpu.memory_space<vmem>> -> memref<128x64xf32, #tpu.memory_space<vmem>>
      %dma_wait3A_395 = arith.constant 256 : i32
      %dma_wait3A_396 = tpu.memref_slice %arg11[%dma_wait3A_395] : memref<640xi32, #tpu.memory_space<vmem>> -> memref<128xi32, #tpu.memory_space<vmem>>
      %dma_wait3A_397 = arith.constant 0 : i32
      %dma_wait3A_398 = arith.constant 0 : i32
      %dma_wait3A_399 = tpu.memref_slice %arg4[%dma_wait3A_397, %dma_wait3A_398] : memref<300000x64xf32, #tpu.memory_space<hbm>> -> memref<300000x64xf32, #tpu.memory_space<hbm>>
      tpu.wait_indirect_dma semaphore(%arg17 : memref<!tpu.dma_semaphore, #tpu.memory_space<semaphore_mem>>) src(%dma_wait3A_399 : memref<300000x64xf32, #tpu.memory_space<hbm>>) dst(%dma_wait3A_394 : memref<128x64xf32, #tpu.memory_space<vmem>>)
      %dma_wait3A_400 = arith.constant 384 : i32
      %dma_wait3A_401 = arith.constant 0 : i32
      %dma_wait3A_402 = tpu.memref_slice %arg13[%dma_wait3A_400, %dma_wait3A_401] : memref<640x64xf32, #tpu.memory_space<vmem>> -> memref<128x64xf32, #tpu.memory_space<vmem>>
      %dma_wait3A_403 = arith.constant 384 : i32
      %dma_wait3A_404 = tpu.memref_slice %arg11[%dma_wait3A_403] : memref<640xi32, #tpu.memory_space<vmem>> -> memref<128xi32, #tpu.memory_space<vmem>>
      %dma_wait3A_405 = arith.constant 0 : i32
      %dma_wait3A_406 = arith.constant 0 : i32
      %dma_wait3A_407 = tpu.memref_slice %arg4[%dma_wait3A_405, %dma_wait3A_406] : memref<300000x64xf32, #tpu.memory_space<hbm>> -> memref<300000x64xf32, #tpu.memory_space<hbm>>
      tpu.wait_indirect_dma semaphore(%arg17 : memref<!tpu.dma_semaphore, #tpu.memory_space<semaphore_mem>>) src(%dma_wait3A_407 : memref<300000x64xf32, #tpu.memory_space<hbm>>) dst(%dma_wait3A_402 : memref<128x64xf32, #tpu.memory_space<vmem>>)
      %dma_wait3A_408 = arith.constant 512 : i32
      %dma_wait3A_409 = arith.constant 0 : i32
      %dma_wait3A_410 = tpu.memref_slice %arg13[%dma_wait3A_408, %dma_wait3A_409] : memref<640x64xf32, #tpu.memory_space<vmem>> -> memref<128x64xf32, #tpu.memory_space<vmem>>
      %dma_wait3A_411 = arith.constant 512 : i32
      %dma_wait3A_412 = tpu.memref_slice %arg11[%dma_wait3A_411] : memref<640xi32, #tpu.memory_space<vmem>> -> memref<128xi32, #tpu.memory_space<vmem>>
      %dma_wait3A_413 = arith.constant 0 : i32
      %dma_wait3A_414 = arith.constant 0 : i32
      %dma_wait3A_415 = tpu.memref_slice %arg4[%dma_wait3A_413, %dma_wait3A_414] : memref<300000x64xf32, #tpu.memory_space<hbm>> -> memref<300000x64xf32, #tpu.memory_space<hbm>>
      tpu.wait_indirect_dma semaphore(%arg17 : memref<!tpu.dma_semaphore, #tpu.memory_space<semaphore_mem>>) src(%dma_wait3A_415 : memref<300000x64xf32, #tpu.memory_space<hbm>>) dst(%dma_wait3A_410 : memref<128x64xf32, #tpu.memory_space<vmem>>)
      %sub3A_416 = arith.constant 1 : i32
      %sub3A_417 = arith.subi %add3A_318, %sub3A_416 : i32
      %mul3A_418 = arith.constant 640 : i32
      %mul3A_419 = arith.muli %sub3A_417, %mul3A_418 : i32
      %add3A_420 = arith.addi %mul3A_2, %mul3A_419 : i32
      "tpu.region"() ({
        %run_scoped3A = tpu.sem_alloc : memref<!tpu.dma_semaphore, #tpu.memory_space<semaphore_mem>>
        %dma_start3A_421 = arith.constant 0 : i32
        %dma_start3A_422 = tpu.memref_slice %arg5[%add3A_420, %dma_start3A_421] : memref<819200x128xf32, #tpu.memory_space<hbm>> -> memref<640x64xf32, #tpu.memory_space<hbm>>
        %dma_start3A_423 = arith.constant 0 : i32
        %dma_start3A_424 = tpu.memref_slice %arg5[%add3A_420, %dma_start3A_423] : memref<819200x128xf32, #tpu.memory_space<hbm>> -> memref<640x64xf32, #tpu.memory_space<hbm>>
        tpu.enqueue_dma source(%arg13 : memref<640x64xf32, #tpu.memory_space<vmem>>) target(%dma_start3A_424 : memref<640x64xf32, #tpu.memory_space<hbm>>) target_semaphore(%run_scoped3A : memref<!tpu.dma_semaphore, #tpu.memory_space<semaphore_mem>>)
        %dma_wait3A_425 = arith.constant 0 : i32
        %dma_wait3A_426 = tpu.memref_slice %arg5[%add3A_420, %dma_wait3A_425] : memref<819200x128xf32, #tpu.memory_space<hbm>> -> memref<640x64xf32, #tpu.memory_space<hbm>>
        %dma_wait3A_427 = arith.constant 0 : i32
        %dma_wait3A_428 = tpu.memref_slice %arg5[%add3A_420, %dma_wait3A_427] : memref<819200x128xf32, #tpu.memory_space<hbm>> -> memref<640x64xf32, #tpu.memory_space<hbm>>
        tpu.wait_dma2 semaphore(%run_scoped3A : memref<!tpu.dma_semaphore, #tpu.memory_space<semaphore_mem>>) src(%arg13 : memref<640x64xf32, #tpu.memory_space<vmem>>) dst(%dma_wait3A_428 : memref<640x64xf32, #tpu.memory_space<hbm>>)
        tpu.yield
      }) : () -> ()
    }
    %scan3A_69 = arith.constant 19 : i32
    %add3A_70 = arith.constant 24960 : i32
    %add3A_71 = arith.addi %mul3A_2, %add3A_70 : i32
    %dma_wait3A_72 = tpu.memref_slice %arg2[%add3A_71] : memref<819200xi32, #tpu.memory_space<hbm>> -> memref<640xi32, #tpu.memory_space<hbm>>
    %dma_wait3A_73 = tpu.memref_slice %arg2[%add3A_71] : memref<819200xi32, #tpu.memory_space<hbm>> -> memref<640xi32, #tpu.memory_space<hbm>>
    tpu.wait_dma2 semaphore(%arg15 : memref<!tpu.dma_semaphore, #tpu.memory_space<semaphore_mem>>) src(%dma_wait3A_73 : memref<640xi32, #tpu.memory_space<hbm>>) dst(%arg7 : memref<640xi32, #tpu.memory_space<vmem>>)
    %dma_wait3A_74 = tpu.memref_slice %arg3[%add3A_71] : memref<819200xi32, #tpu.memory_space<hbm>> -> memref<640xi32, #tpu.memory_space<hbm>>
    %dma_wait3A_75 = tpu.memref_slice %arg3[%add3A_71] : memref<819200xi32, #tpu.memory_space<hbm>> -> memref<640xi32, #tpu.memory_space<hbm>>
    tpu.wait_dma2 semaphore(%arg15 : memref<!tpu.dma_semaphore, #tpu.memory_space<semaphore_mem>>) src(%dma_wait3A_75 : memref<640xi32, #tpu.memory_space<hbm>>) dst(%arg9 : memref<640xi32, #tpu.memory_space<vmem>>)
    %scan3A_76 = arith.constant 0 : i32
    %scan3A_77 = arith.constant 0 : i32
    %scan3A_78 = arith.constant 40 : i32
    %scan3A_79 = arith.addi %scan3A_77, %scan3A_78 : i32
    %scan3A_80 = arith.constant 1 : i32
    scf.for %scan3A_206 = %scan3A_77 to %scan3A_79 step %scan3A_80  : i32 {
      %mul3A_207 = arith.constant 16 : i32
      %mul3A_208 = arith.muli %scan3A_206, %mul3A_207 : i32
      %get3A = arith.index_cast %mul3A_208 : i32 to index
      %get3A_209 = tpu.vector_load %arg9[%get3A] {strides = array<i32>} : memref<640xi32, #tpu.memory_space<vmem>>, vector<16xi32>,
      %get3A_210 = vector.shape_cast %get3A_209 : vector<16xi32> to vector<16xi32>
      %mul3A_211 = arith.constant 100000 : i32
      %mul3A_212 = vector.broadcast %mul3A_211 : i32 to vector<16xi32>
      %mul3A_213 = arith.muli %get3A_210, %mul3A_212 : vector<16xi32>
      %get3A_214 = arith.index_cast %mul3A_208 : i32 to index
      %get3A_215 = tpu.vector_load %arg7[%get3A_214] {strides = array<i32>} : memref<640xi32, #tpu.memory_space<vmem>>, vector<16xi32>,
      %get3A_216 = vector.shape_cast %get3A_215 : vector<16xi32> to vector<16xi32>
      %add3A_217 = arith.addi %mul3A_213, %get3A_216 : vector<16xi32>
      %swap3A = arith.index_cast %mul3A_208 : i32 to index
      %swap3A_218 = tpu.vector_load %arg11[%swap3A] {strides = array<i32>} : memref<640xi32, #tpu.memory_space<vmem>>, vector<16xi32>,
      %swap3A_219 = vector.shape_cast %swap3A_218 : vector<16xi32> to vector<16xi32>
      %swap3A_220 = vector.shape_cast %add3A_217 : vector<16xi32> to vector<16xi32>
      tpu.vector_store %arg11[%swap3A], %swap3A_220 {strides = array<i32>} : memref<640xi32, #tpu.memory_space<vmem>>, vector<16xi32>,
    }
    %scan3A_81 = arith.constant 40 : i32
    %dma_start3A_82 = arith.constant 0 : i32
    %dma_start3A_83 = arith.constant 0 : i32
    %dma_start3A_84 = tpu.memref_slice %arg13[%dma_start3A_82, %dma_start3A_83] : memref<640x64xf32, #tpu.memory_space<vmem>> -> memref<128x64xf32, #tpu.memory_space<vmem>>
    %dma_start3A_85 = arith.constant 0 : i32
    %dma_start3A_86 = tpu.memref_slice %arg11[%dma_start3A_85] : memref<640xi32, #tpu.memory_space<vmem>> -> memref<128xi32, #tpu.memory_space<vmem>>
    %dma_start3A_87 = arith.constant 0 : i32
    %dma_start3A_88 = arith.constant 0 : i32
    %dma_start3A_89 = tpu.memref_slice %arg4[%dma_start3A_87, %dma_start3A_88] : memref<300000x64xf32, #tpu.memory_space<hbm>> -> memref<300000x64xf32, #tpu.memory_space<hbm>>
    tpu.enqueue_indirect_dma source(%dma_start3A_89 : memref<300000x64xf32, #tpu.memory_space<hbm>>) target(%dma_start3A_84 : memref<128x64xf32, #tpu.memory_space<vmem>>) offsets(%dma_start3A_86 : memref<128xi32, #tpu.memory_space<vmem>>) semaphore(%arg17 : memref<!tpu.dma_semaphore, #tpu.memory_space<semaphore_mem>>)
    %dma_start3A_90 = arith.constant 128 : i32
    %dma_start3A_91 = arith.constant 0 : i32
    %dma_start3A_92 = tpu.memref_slice %arg13[%dma_start3A_90, %dma_start3A_91] : memref<640x64xf32, #tpu.memory_space<vmem>> -> memref<128x64xf32, #tpu.memory_space<vmem>>
    %dma_start3A_93 = arith.constant 128 : i32
    %dma_start3A_94 = tpu.memref_slice %arg11[%dma_start3A_93] : memref<640xi32, #tpu.memory_space<vmem>> -> memref<128xi32, #tpu.memory_space<vmem>>
    %dma_start3A_95 = arith.constant 0 : i32
    %dma_start3A_96 = arith.constant 0 : i32
    %dma_start3A_97 = tpu.memref_slice %arg4[%dma_start3A_95, %dma_start3A_96] : memref<300000x64xf32, #tpu.memory_space<hbm>> -> memref<300000x64xf32, #tpu.memory_space<hbm>>
    tpu.enqueue_indirect_dma source(%dma_start3A_97 : memref<300000x64xf32, #tpu.memory_space<hbm>>) target(%dma_start3A_92 : memref<128x64xf32, #tpu.memory_space<vmem>>) offsets(%dma_start3A_94 : memref<128xi32, #tpu.memory_space<vmem>>) semaphore(%arg17 : memref<!tpu.dma_semaphore, #tpu.memory_space<semaphore_mem>>)
    %dma_start3A_98 = arith.constant 256 : i32
    %dma_start3A_99 = arith.constant 0 : i32
    %dma_start3A_100 = tpu.memref_slice %arg13[%dma_start3A_98, %dma_start3A_99] : memref<640x64xf32, #tpu.memory_space<vmem>> -> memref<128x64xf32, #tpu.memory_space<vmem>>
    %dma_start3A_101 = arith.constant 256 : i32
    %dma_start3A_102 = tpu.memref_slice %arg11[%dma_start3A_101] : memref<640xi32, #tpu.memory_space<vmem>> -> memref<128xi32, #tpu.memory_space<vmem>>
    %dma_start3A_103 = arith.constant 0 : i32
    %dma_start3A_104 = arith.constant 0 : i32
    %dma_start3A_105 = tpu.memref_slice %arg4[%dma_start3A_103, %dma_start3A_104] : memref<300000x64xf32, #tpu.memory_space<hbm>> -> memref<300000x64xf32, #tpu.memory_space<hbm>>
    tpu.enqueue_indirect_dma source(%dma_start3A_105 : memref<300000x64xf32, #tpu.memory_space<hbm>>) target(%dma_start3A_100 : memref<128x64xf32, #tpu.memory_space<vmem>>) offsets(%dma_start3A_102 : memref<128xi32, #tpu.memory_space<vmem>>) semaphore(%arg17 : memref<!tpu.dma_semaphore, #tpu.memory_space<semaphore_mem>>)
    %dma_start3A_106 = arith.constant 384 : i32
    %dma_start3A_107 = arith.constant 0 : i32
    %dma_start3A_108 = tpu.memref_slice %arg13[%dma_start3A_106, %dma_start3A_107] : memref<640x64xf32, #tpu.memory_space<vmem>> -> memref<128x64xf32, #tpu.memory_space<vmem>>
    %dma_start3A_109 = arith.constant 384 : i32
    %dma_start3A_110 = tpu.memref_slice %arg11[%dma_start3A_109] : memref<640xi32, #tpu.memory_space<vmem>> -> memref<128xi32, #tpu.memory_space<vmem>>
    %dma_start3A_111 = arith.constant 0 : i32
    %dma_start3A_112 = arith.constant 0 : i32
    %dma_start3A_113 = tpu.memref_slice %arg4[%dma_start3A_111, %dma_start3A_112] : memref<300000x64xf32, #tpu.memory_space<hbm>> -> memref<300000x64xf32, #tpu.memory_space<hbm>>
    tpu.enqueue_indirect_dma source(%dma_start3A_113 : memref<300000x64xf32, #tpu.memory_space<hbm>>) target(%dma_start3A_108 : memref<128x64xf32, #tpu.memory_space<vmem>>) offsets(%dma_start3A_110 : memref<128xi32, #tpu.memory_space<vmem>>) semaphore(%arg17 : memref<!tpu.dma_semaphore, #tpu.memory_space<semaphore_mem>>)
    %dma_start3A_114 = arith.constant 512 : i32
    %dma_start3A_115 = arith.constant 0 : i32
    %dma_start3A_116 = tpu.memref_slice %arg13[%dma_start3A_114, %dma_start3A_115] : memref<640x64xf32, #tpu.memory_space<vmem>> -> memref<128x64xf32, #tpu.memory_space<vmem>>
    %dma_start3A_117 = arith.constant 512 : i32
    %dma_start3A_118 = tpu.memref_slice %arg11[%dma_start3A_117] : memref<640xi32, #tpu.memory_space<vmem>> -> memref<128xi32, #tpu.memory_space<vmem>>
    %dma_start3A_119 = arith.constant 0 : i32
    %dma_start3A_120 = arith.constant 0 : i32
    %dma_start3A_121 = tpu.memref_slice %arg4[%dma_start3A_119, %dma_start3A_120] : memref<300000x64xf32, #tpu.memory_space<hbm>> -> memref<300000x64xf32, #tpu.memory_space<hbm>>
    tpu.enqueue_indirect_dma source(%dma_start3A_121 : memref<300000x64xf32, #tpu.memory_space<hbm>>) target(%dma_start3A_116 : memref<128x64xf32, #tpu.memory_space<vmem>>) offsets(%dma_start3A_118 : memref<128xi32, #tpu.memory_space<vmem>>) semaphore(%arg17 : memref<!tpu.dma_semaphore, #tpu.memory_space<semaphore_mem>>)
    %dma_wait3A_122 = arith.constant 0 : i32
    %dma_wait3A_123 = arith.constant 0 : i32
    %dma_wait3A_124 = tpu.memref_slice %arg12[%dma_wait3A_122, %dma_wait3A_123] : memref<640x64xf32, #tpu.memory_space<vmem>> -> memref<128x64xf32, #tpu.memory_space<vmem>>
    %dma_wait3A_125 = arith.constant 0 : i32
    %dma_wait3A_126 = tpu.memref_slice %arg10[%dma_wait3A_125] : memref<640xi32, #tpu.memory_space<vmem>> -> memref<128xi32, #tpu.memory_space<vmem>>
    %dma_wait3A_127 = arith.constant 0 : i32
    %dma_wait3A_128 = arith.constant 0 : i32
    %dma_wait3A_129 = tpu.memref_slice %arg4[%dma_wait3A_127, %dma_wait3A_128] : memref<300000x64xf32, #tpu.memory_space<hbm>> -> memref<300000x64xf32, #tpu.memory_space<hbm>>
    tpu.wait_indirect_dma semaphore(%arg16 : memref<!tpu.dma_semaphore, #tpu.memory_space<semaphore_mem>>) src(%dma_wait3A_129 : memref<300000x64xf32, #tpu.memory_space<hbm>>) dst(%dma_wait3A_124 : memref<128x64xf32, #tpu.memory_space<vmem>>)
    %dma_wait3A_130 = arith.constant 128 : i32
    %dma_wait3A_131 = arith.constant 0 : i32
    %dma_wait3A_132 = tpu.memref_slice %arg12[%dma_wait3A_130, %dma_wait3A_131] : memref<640x64xf32, #tpu.memory_space<vmem>> -> memref<128x64xf32, #tpu.memory_space<vmem>>
    %dma_wait3A_133 = arith.constant 128 : i32
    %dma_wait3A_134 = tpu.memref_slice %arg10[%dma_wait3A_133] : memref<640xi32, #tpu.memory_space<vmem>> -> memref<128xi32, #tpu.memory_space<vmem>>
    %dma_wait3A_135 = arith.constant 0 : i32
    %dma_wait3A_136 = arith.constant 0 : i32
    %dma_wait3A_137 = tpu.memref_slice %arg4[%dma_wait3A_135, %dma_wait3A_136] : memref<300000x64xf32, #tpu.memory_space<hbm>> -> memref<300000x64xf32, #tpu.memory_space<hbm>>
    tpu.wait_indirect_dma semaphore(%arg16 : memref<!tpu.dma_semaphore, #tpu.memory_space<semaphore_mem>>) src(%dma_wait3A_137 : memref<300000x64xf32, #tpu.memory_space<hbm>>) dst(%dma_wait3A_132 : memref<128x64xf32, #tpu.memory_space<vmem>>)
    %dma_wait3A_138 = arith.constant 256 : i32
    %dma_wait3A_139 = arith.constant 0 : i32
    %dma_wait3A_140 = tpu.memref_slice %arg12[%dma_wait3A_138, %dma_wait3A_139] : memref<640x64xf32, #tpu.memory_space<vmem>> -> memref<128x64xf32, #tpu.memory_space<vmem>>
    %dma_wait3A_141 = arith.constant 256 : i32
    %dma_wait3A_142 = tpu.memref_slice %arg10[%dma_wait3A_141] : memref<640xi32, #tpu.memory_space<vmem>> -> memref<128xi32, #tpu.memory_space<vmem>>
    %dma_wait3A_143 = arith.constant 0 : i32
    %dma_wait3A_144 = arith.constant 0 : i32
    %dma_wait3A_145 = tpu.memref_slice %arg4[%dma_wait3A_143, %dma_wait3A_144] : memref<300000x64xf32, #tpu.memory_space<hbm>> -> memref<300000x64xf32, #tpu.memory_space<hbm>>
    tpu.wait_indirect_dma semaphore(%arg16 : memref<!tpu.dma_semaphore, #tpu.memory_space<semaphore_mem>>) src(%dma_wait3A_145 : memref<300000x64xf32, #tpu.memory_space<hbm>>) dst(%dma_wait3A_140 : memref<128x64xf32, #tpu.memory_space<vmem>>)
    %dma_wait3A_146 = arith.constant 384 : i32
    %dma_wait3A_147 = arith.constant 0 : i32
    %dma_wait3A_148 = tpu.memref_slice %arg12[%dma_wait3A_146, %dma_wait3A_147] : memref<640x64xf32, #tpu.memory_space<vmem>> -> memref<128x64xf32, #tpu.memory_space<vmem>>
    %dma_wait3A_149 = arith.constant 384 : i32
    %dma_wait3A_150 = tpu.memref_slice %arg10[%dma_wait3A_149] : memref<640xi32, #tpu.memory_space<vmem>> -> memref<128xi32, #tpu.memory_space<vmem>>
    %dma_wait3A_151 = arith.constant 0 : i32
    %dma_wait3A_152 = arith.constant 0 : i32
    %dma_wait3A_153 = tpu.memref_slice %arg4[%dma_wait3A_151, %dma_wait3A_152] : memref<300000x64xf32, #tpu.memory_space<hbm>> -> memref<300000x64xf32, #tpu.memory_space<hbm>>
    tpu.wait_indirect_dma semaphore(%arg16 : memref<!tpu.dma_semaphore, #tpu.memory_space<semaphore_mem>>) src(%dma_wait3A_153 : memref<300000x64xf32, #tpu.memory_space<hbm>>) dst(%dma_wait3A_148 : memref<128x64xf32, #tpu.memory_space<vmem>>)
    %dma_wait3A_154 = arith.constant 512 : i32
    %dma_wait3A_155 = arith.constant 0 : i32
    %dma_wait3A_156 = tpu.memref_slice %arg12[%dma_wait3A_154, %dma_wait3A_155] : memref<640x64xf32, #tpu.memory_space<vmem>> -> memref<128x64xf32, #tpu.memory_space<vmem>>
    %dma_wait3A_157 = arith.constant 512 : i32
    %dma_wait3A_158 = tpu.memref_slice %arg10[%dma_wait3A_157] : memref<640xi32, #tpu.memory_space<vmem>> -> memref<128xi32, #tpu.memory_space<vmem>>
    %dma_wait3A_159 = arith.constant 0 : i32
    %dma_wait3A_160 = arith.constant 0 : i32
    %dma_wait3A_161 = tpu.memref_slice %arg4[%dma_wait3A_159, %dma_wait3A_160] : memref<300000x64xf32, #tpu.memory_space<hbm>> -> memref<300000x64xf32, #tpu.memory_space<hbm>>
    tpu.wait_indirect_dma semaphore(%arg16 : memref<!tpu.dma_semaphore, #tpu.memory_space<semaphore_mem>>) src(%dma_wait3A_161 : memref<300000x64xf32, #tpu.memory_space<hbm>>) dst(%dma_wait3A_156 : memref<128x64xf32, #tpu.memory_space<vmem>>)
    %add3A_162 = arith.constant 24320 : i32
    %add3A_163 = arith.addi %mul3A_2, %add3A_162 : i32
    "tpu.region"() ({
      %run_scoped3A = tpu.sem_alloc : memref<!tpu.dma_semaphore, #tpu.memory_space<semaphore_mem>>
      %dma_start3A_206 = arith.constant 0 : i32
      %dma_start3A_207 = tpu.memref_slice %arg5[%add3A_163, %dma_start3A_206] : memref<819200x128xf32, #tpu.memory_space<hbm>> -> memref<640x64xf32, #tpu.memory_space<hbm>>
      %dma_start3A_208 = arith.constant 0 : i32
      %dma_start3A_209 = tpu.memref_slice %arg5[%add3A_163, %dma_start3A_208] : memref<819200x128xf32, #tpu.memory_space<hbm>> -> memref<640x64xf32, #tpu.memory_space<hbm>>
      tpu.enqueue_dma source(%arg12 : memref<640x64xf32, #tpu.memory_space<vmem>>) target(%dma_start3A_209 : memref<640x64xf32, #tpu.memory_space<hbm>>) target_semaphore(%run_scoped3A : memref<!tpu.dma_semaphore, #tpu.memory_space<semaphore_mem>>)
      %dma_wait3A_210 = arith.constant 0 : i32
      %dma_wait3A_211 = tpu.memref_slice %arg5[%add3A_163, %dma_wait3A_210] : memref<819200x128xf32, #tpu.memory_space<hbm>> -> memref<640x64xf32, #tpu.memory_space<hbm>>
      %dma_wait3A_212 = arith.constant 0 : i32
      %dma_wait3A_213 = tpu.memref_slice %arg5[%add3A_163, %dma_wait3A_212] : memref<819200x128xf32, #tpu.memory_space<hbm>> -> memref<640x64xf32, #tpu.memory_space<hbm>>
      tpu.wait_dma2 semaphore(%run_scoped3A : memref<!tpu.dma_semaphore, #tpu.memory_space<semaphore_mem>>) src(%arg12 : memref<640x64xf32, #tpu.memory_space<vmem>>) dst(%dma_wait3A_213 : memref<640x64xf32, #tpu.memory_space<hbm>>)
      tpu.yield
    }) : () -> ()
    %dma_wait3A_164 = arith.constant 0 : i32
    %dma_wait3A_165 = arith.constant 0 : i32
    %dma_wait3A_166 = tpu.memref_slice %arg13[%dma_wait3A_164, %dma_wait3A_165] : memref<640x64xf32, #tpu.memory_space<vmem>> -> memref<128x64xf32, #tpu.memory_space<vmem>>
    %dma_wait3A_167 = arith.constant 0 : i32
    %dma_wait3A_168 = tpu.memref_slice %arg11[%dma_wait3A_167] : memref<640xi32, #tpu.memory_space<vmem>> -> memref<128xi32, #tpu.memory_space<vmem>>
    %dma_wait3A_169 = arith.constant 0 : i32
    %dma_wait3A_170 = arith.constant 0 : i32
    %dma_wait3A_171 = tpu.memref_slice %arg4[%dma_wait3A_169, %dma_wait3A_170] : memref<300000x64xf32, #tpu.memory_space<hbm>> -> memref<300000x64xf32, #tpu.memory_space<hbm>>
    tpu.wait_indirect_dma semaphore(%arg17 : memref<!tpu.dma_semaphore, #tpu.memory_space<semaphore_mem>>) src(%dma_wait3A_171 : memref<300000x64xf32, #tpu.memory_space<hbm>>) dst(%dma_wait3A_166 : memref<128x64xf32, #tpu.memory_space<vmem>>)
    %dma_wait3A_172 = arith.constant 128 : i32
    %dma_wait3A_173 = arith.constant 0 : i32
    %dma_wait3A_174 = tpu.memref_slice %arg13[%dma_wait3A_172, %dma_wait3A_173] : memref<640x64xf32, #tpu.memory_space<vmem>> -> memref<128x64xf32, #tpu.memory_space<vmem>>
    %dma_wait3A_175 = arith.constant 128 : i32
    %dma_wait3A_176 = tpu.memref_slice %arg11[%dma_wait3A_175] : memref<640xi32, #tpu.memory_space<vmem>> -> memref<128xi32, #tpu.memory_space<vmem>>
    %dma_wait3A_177 = arith.constant 0 : i32
    %dma_wait3A_178 = arith.constant 0 : i32
    %dma_wait3A_179 = tpu.memref_slice %arg4[%dma_wait3A_177, %dma_wait3A_178] : memref<300000x64xf32, #tpu.memory_space<hbm>> -> memref<300000x64xf32, #tpu.memory_space<hbm>>
    tpu.wait_indirect_dma semaphore(%arg17 : memref<!tpu.dma_semaphore, #tpu.memory_space<semaphore_mem>>) src(%dma_wait3A_179 : memref<300000x64xf32, #tpu.memory_space<hbm>>) dst(%dma_wait3A_174 : memref<128x64xf32, #tpu.memory_space<vmem>>)
    %dma_wait3A_180 = arith.constant 256 : i32
    %dma_wait3A_181 = arith.constant 0 : i32
    %dma_wait3A_182 = tpu.memref_slice %arg13[%dma_wait3A_180, %dma_wait3A_181] : memref<640x64xf32, #tpu.memory_space<vmem>> -> memref<128x64xf32, #tpu.memory_space<vmem>>
    %dma_wait3A_183 = arith.constant 256 : i32
    %dma_wait3A_184 = tpu.memref_slice %arg11[%dma_wait3A_183] : memref<640xi32, #tpu.memory_space<vmem>> -> memref<128xi32, #tpu.memory_space<vmem>>
    %dma_wait3A_185 = arith.constant 0 : i32
    %dma_wait3A_186 = arith.constant 0 : i32
    %dma_wait3A_187 = tpu.memref_slice %arg4[%dma_wait3A_185, %dma_wait3A_186] : memref<300000x64xf32, #tpu.memory_space<hbm>> -> memref<300000x64xf32, #tpu.memory_space<hbm>>
    tpu.wait_indirect_dma semaphore(%arg17 : memref<!tpu.dma_semaphore, #tpu.memory_space<semaphore_mem>>) src(%dma_wait3A_187 : memref<300000x64xf32, #tpu.memory_space<hbm>>) dst(%dma_wait3A_182 : memref<128x64xf32, #tpu.memory_space<vmem>>)
    %dma_wait3A_188 = arith.constant 384 : i32
    %dma_wait3A_189 = arith.constant 0 : i32
    %dma_wait3A_190 = tpu.memref_slice %arg13[%dma_wait3A_188, %dma_wait3A_189] : memref<640x64xf32, #tpu.memory_space<vmem>> -> memref<128x64xf32, #tpu.memory_space<vmem>>
    %dma_wait3A_191 = arith.constant 384 : i32
    %dma_wait3A_192 = tpu.memref_slice %arg11[%dma_wait3A_191] : memref<640xi32, #tpu.memory_space<vmem>> -> memref<128xi32, #tpu.memory_space<vmem>>
    %dma_wait3A_193 = arith.constant 0 : i32
    %dma_wait3A_194 = arith.constant 0 : i32
    %dma_wait3A_195 = tpu.memref_slice %arg4[%dma_wait3A_193, %dma_wait3A_194] : memref<300000x64xf32, #tpu.memory_space<hbm>> -> memref<300000x64xf32, #tpu.memory_space<hbm>>
    tpu.wait_indirect_dma semaphore(%arg17 : memref<!tpu.dma_semaphore, #tpu.memory_space<semaphore_mem>>) src(%dma_wait3A_195 : memref<300000x64xf32, #tpu.memory_space<hbm>>) dst(%dma_wait3A_190 : memref<128x64xf32, #tpu.memory_space<vmem>>)
    %dma_wait3A_196 = arith.constant 512 : i32
    %dma_wait3A_197 = arith.constant 0 : i32
    %dma_wait3A_198 = tpu.memref_slice %arg13[%dma_wait3A_196, %dma_wait3A_197] : memref<640x64xf32, #tpu.memory_space<vmem>> -> memref<128x64xf32, #tpu.memory_space<vmem>>
    %dma_wait3A_199 = arith.constant 512 : i32
    %dma_wait3A_200 = tpu.memref_slice %arg11[%dma_wait3A_199] : memref<640xi32, #tpu.memory_space<vmem>> -> memref<128xi32, #tpu.memory_space<vmem>>
    %dma_wait3A_201 = arith.constant 0 : i32
    %dma_wait3A_202 = arith.constant 0 : i32
    %dma_wait3A_203 = tpu.memref_slice %arg4[%dma_wait3A_201, %dma_wait3A_202] : memref<300000x64xf32, #tpu.memory_space<hbm>> -> memref<300000x64xf32, #tpu.memory_space<hbm>>
    tpu.wait_indirect_dma semaphore(%arg17 : memref<!tpu.dma_semaphore, #tpu.memory_space<semaphore_mem>>) src(%dma_wait3A_203 : memref<300000x64xf32, #tpu.memory_space<hbm>>) dst(%dma_wait3A_198 : memref<128x64xf32, #tpu.memory_space<vmem>>)
    %add3A_204 = arith.constant 24960 : i32
    %add3A_205 = arith.addi %mul3A_2, %add3A_204 : i32
    "tpu.region"() ({
      %run_scoped3A = tpu.sem_alloc : memref<!tpu.dma_semaphore, #tpu.memory_space<semaphore_mem>>
      %dma_start3A_206 = arith.constant 0 : i32
      %dma_start3A_207 = tpu.memref_slice %arg5[%add3A_205, %dma_start3A_206] : memref<819200x128xf32, #tpu.memory_space<hbm>> -> memref<640x64xf32, #tpu.memory_space<hbm>>
      %dma_start3A_208 = arith.constant 0 : i32
      %dma_start3A_209 = tpu.memref_slice %arg5[%add3A_205, %dma_start3A_208] : memref<819200x128xf32, #tpu.memory_space<hbm>> -> memref<640x64xf32, #tpu.memory_space<hbm>>
      tpu.enqueue_dma source(%arg13 : memref<640x64xf32, #tpu.memory_space<vmem>>) target(%dma_start3A_209 : memref<640x64xf32, #tpu.memory_space<hbm>>) target_semaphore(%run_scoped3A : memref<!tpu.dma_semaphore, #tpu.memory_space<semaphore_mem>>)
      %dma_wait3A_210 = arith.constant 0 : i32
      %dma_wait3A_211 = tpu.memref_slice %arg5[%add3A_205, %dma_wait3A_210] : memref<819200x128xf32, #tpu.memory_space<hbm>> -> memref<640x64xf32, #tpu.memory_space<hbm>>
      %dma_wait3A_212 = arith.constant 0 : i32
      %dma_wait3A_213 = tpu.memref_slice %arg5[%add3A_205, %dma_wait3A_212] : memref<819200x128xf32, #tpu.memory_space<hbm>> -> memref<640x64xf32, #tpu.memory_space<hbm>>
      tpu.wait_dma2 semaphore(%run_scoped3A : memref<!tpu.dma_semaphore, #tpu.memory_space<semaphore_mem>>) src(%arg13 : memref<640x64xf32, #tpu.memory_space<vmem>>) dst(%dma_wait3A_213 : memref<640x64xf32, #tpu.memory_space<hbm>>)
      tpu.yield
    }) : () -> ()
    return
  }
}

</mosaic_0001>

<sc_bundles>
// kernel: _sc_gather.3.cloned.1.call-start
scs
__scs_entry_jumppad:
0x0: {  	(pc) =	sbr.rel $0x88, $3  }
0x1: {  	(tag) =	ssettag $0x0;
	lr =	simm.s32 $0x1  }
0x2: {  	[smem:$0x3F9E] =	sst lr;
	_ =	strace $0xD0000000  }
0x3: {  	_ = 	snop  }
0x4: {  	_ = 	snop  }
0x5: {  	_ = 	snop  }
0x6: {  	_ = 	snop  }
0x7: {  	_ = 	snop  }
__scs_overlays_trampoline_lowered:
0x8: {  	[smem:$0x3FAD] =	sst s0  }
0x9: {  	[smem:$0x3FAE] =	sst s1  }
0xa: {  	[smem:$0x3FAF] =	sst s2  }
0xb: {  	[smem:$0x3FB0] =	sst s3  }
0xc: {  	[smem:$0x3FB1] =	sst s4  }
0xd: {  	[smem:$0x3FB2] =	sst s5  }
0xe: {  	[smem:$0x3FB3] =	sst s6  }
0xf: {  	[smem:$0x3FB4] =	sst s7  }
0x10: {  	[smem:$0x3FB5] =	sst s8  }
0x11: {  	[smem:$0x3FB6] =	sst s9;
	s0 =	simm.s32 @!p0 $0x0  }
0x12: {  	s1 =	sld [smem:$0x3F9C];
	s0 =	simm.s32 @p0 $0x1  }
0x13: {  	[smem:$0x3FB7] =	sst s0;
	s0 =	simm.s32 @!p1 $0x0  }
0x14: {  	s2 =	sld [smem:$0x3F9B];
	s0 =	simm.s32 @p1 $0x1  }
0x15: {  	[smem:$0x3FB8] =	sst s0;
	s0 =	simm.s32 @!p2 $0x0  }
0x16: {  	s3 =	sld [smem:$0x3FDB];
	s0 =	simm.s32 @p2 $0x1  }
0x17: {  	s4 =	simm.s32 $0x1BF5;
	[smem:$0x3FBA] =	sst s0  }
0x18: {  	s0 =	sld [smem:$0x3F9D];
	_ =	swait.ge [sflag:s4], $0x0  }
0x19: {  	s7 =	sld [smem:$0x3F9E]  }
0x1a: {  	s8 =	sadd.s32 $0xFFFFE003, lr  }
0x1b: {  	s9 =	sadd.s32 $0xFFFFFEF7, lr;
	s5 =	simm.s32 $0xFFFFFFFF;
	p2 =	slt.u32 s8, $0xFFFFF086  }
0x1c: {  	p1 =	slt.u32 s9, $0xF7A;
	s5 =	simm.s32 @!p2 $0x0  }
0x1d: {  	s5 =	simm.s32 @p1 $0x1;
	p0 =	seq.s32 s7, s2  }
0x1e: {  	s7 =	smul.u32 @!p0 $0xF7A, s2;
	p2 =	seq.s32 @!p0 s5, $0x0  }
0x1f: {  	s9 =	smul.u32 $0xF7A, s1;
	s8 =	simm.s32 @!p0 $0x1BF5;
	p2 =	por !p2, p0  }
0x20: {  	[sflag:s8] =	ssyncset.s32 @!p0 $0xFFFFF086;
	s6 =	sadd.s32 @!p0 s3, s7;
	s7 =	simm.s32 @!p0 $0x108  }
0x21: {  	s3 =	sadd.s32 s3, s9;
	s6 =	sadd.s32 @!p0 $0x88, s6;
	s7 =	simm.s32 @p2 $0x1082  }
0x22: {  	[simem:s7], [sflag:s8] =	dma.local @!p0 [hbm:s6], $0xF7A  }
0x23: {  	s9 =	sor.u32 $0xD0000000, s2;
	s6 =	simm.s32 $0x108;
	_ =	swait.ge @!p0 [sflag:s8], $0x0  }
0x24: {  	s3 =	sadd.s32 $0x88, s3;
	s6 =	simm.s32 @!p1 $0x1082;
	[sflag:s4] =	ssyncset.s32 $0xFFFFF086  }
0x25: {  	[simem:s6], [sflag:s4] =	dma.local [hbm:s3], $0xF7A  }
0x26: {  	[smem:$0x3F9E] =	sst s1;
	(tag) =	ssettag s2;
	_ =	strace s9  }
0x27: {  	s1 =	sld [smem:$0x3FAE]  }
0x28: {  	s2 =	sld [smem:$0x3FAF]  }
0x29: {  	s4 =	sld [smem:$0x3FB1]  }
0x2a: {  	p0 =	seq.s32 s5, $0x0;
	s5 =	sld [smem:$0x3FB2]  }
0x2b: {  	s6 =	sld [smem:$0x3FB3]  }
0x2c: {  	s7 =	sld [smem:$0x3FB4]  }
0x2d: {  	s3 =	simm.s32 $0x108;
	s8 =	sld [smem:$0x3FB5]  }
0x2e: {  	s3 =	simm.s32 @!p0 $0x1082;
	s9 =	sld [smem:$0x3FB6]  }
0x2f: {  	lr =	sadd.s32 s0, s3;
	s0 =	sld [smem:$0x3FAD]  }
0x30: {  	s3 =	sld [smem:$0x3FB0]  }
0x31: {  	[smem:$0x3FB9] =	sst s10  }
0x32: {  	s10 =	sld [smem:$0x3FB7];
	_ =	sdelay $0x3  }
0x33: {  	p0 =	seq.s32 s10, $0x1;
	s10 =	sld [smem:$0x3FB9];
	_ =	sdelay $0x3  }
0x34: {  	[smem:$0x3FB9] =	sst s10  }
0x35: {  	s10 =	sld [smem:$0x3FB8];
	_ =	sdelay $0x3  }
0x36: {  	p1 =	seq.s32 s10, $0x1;
	s10 =	sld [smem:$0x3FB9];
	_ =	sdelay $0x3  }
0x37: {  	[smem:$0x3FB9] =	sst s10  }
0x38: {  	s10 =	sld [smem:$0x3FBA]  }
0x39: {  	_ = 	snop;
	(pc) =	sbr.ind lr, $3  }
0x3a: {  	_ = 	snop  }
0x3b: {  	_ = 	snop  }
0x3c: {  	p2 =	seq.s32 s10, $0x1;
	s10 =	sld [smem:$0x3FB9]  }
0x3d: {  	_ =	shalt  }
0x3e: {  	_ =	shalt  }
0x3f: {  	_ =	shalt  }
0x40: {  	_ =	shalt  }
0x41: {  	_ =	shalt  }
0x42: {  	_ =	shalt  }
0x43: {  	_ =	shalt  }
0x44: {  	_ =	shalt  }
0x45: {  	_ =	shalt  }
0x46: {  	_ =	shalt  }
0x47: {  	_ =	shalt  }
0x48: {  	_ =	shalt  }
0x49: {  	_ =	shalt  }
0x4a: {  	_ =	shalt  }
0x4b: {  	_ =	shalt  }
0x4c: {  	_ =	shalt  }
0x4d: {  	_ =	shalt  }
0x4e: {  	_ =	shalt  }
0x4f: {  	_ =	shalt  }
0x50: {  	_ =	shalt  }
0x51: {  	_ =	shalt  }
0x52: {  	_ =	shalt  }
0x53: {  	_ =	shalt  }
0x54: {  	_ =	shalt  }
0x55: {  	_ =	shalt  }
0x56: {  	_ =	shalt  }
0x57: {  	_ =	shalt  }
0x58: {  	_ =	shalt  }
0x59: {  	_ =	shalt  }
0x5a: {  	_ =	shalt  }
0x5b: {  	_ =	shalt  }
0x5c: {  	_ =	shalt  }
0x5d: {  	_ =	shalt  }
0x5e: {  	_ =	shalt  }
0x5f: {  	_ =	shalt  }
0x60: {  	_ =	shalt  }
0x61: {  	_ =	shalt  }
0x62: {  	_ =	shalt  }
0x63: {  	_ =	shalt  }
0x64: {  	_ =	shalt  }
0x65: {  	_ =	shalt  }
0x66: {  	_ =	shalt  }
0x67: {  	_ =	shalt  }
0x68: {  	_ =	shalt  }
0x69: {  	_ =	shalt  }
0x6a: {  	_ =	shalt  }
0x6b: {  	_ =	shalt  }
0x6c: {  	_ =	shalt  }
0x6d: {  	_ =	shalt  }
0x6e: {  	_ =	shalt  }
0x6f: {  	_ =	shalt  }
0x70: {  	_ =	shalt  }
0x71: {  	_ =	shalt  }
0x72: {  	_ =	shalt  }
0x73: {  	_ =	shalt  }
0x74: {  	_ =	shalt  }
0x75: {  	_ =	shalt  }
0x76: {  	_ =	shalt  }
0x77: {  	_ =	shalt  }
0x78: {  	_ =	shalt  }
0x79: {  	_ =	shalt  }
0x7a: {  	_ =	shalt  }
0x7b: {  	_ =	shalt  }
0x7c: {  	_ =	shalt  }
0x7d: {  	_ =	shalt  }
0x7e: {  	_ =	shalt  }
0x7f: {  	_ =	shalt  }
0x80: {  	_ =	shalt  }
0x81: {  	_ =	shalt  }
0x82: {  	_ =	shalt  }
0x83: {  	_ =	shalt  }
0x84: {  	_ =	shalt  }
0x85: {  	_ =	shalt  }
0x86: {  	_ =	shalt  }
0x87: {  	_ =	shalt  }
.Lfunc_end0:
.L_simem_size_0:
called_computation_lowered:
.L_overlay_start_0:
0x88: {  	s2 =	sld [smem:$0x3FD9]  }
0x89: {  	s3 =	sld [smem:$0x3FFE];
	_ =	sdelay $0x1  }
0x8a: {  	s1 =	srdreg.scid  }
0x8b: {  	s0 =	sand.u32 $0x1, s1  }
0x8c: {  	s17 =	sshll.u32 s0, $0xA;
	s2 =	sadd.s32 s3, s2  }
0x8d: {  	s2 =	sadd.s32 s2, s17  }
0x8e: {  	[smem:$0x3FC5] =	sst s2  }
0x8f: {  	_ = 	snop  }
0x90: {  	s2 =	sld [smem:$0x3FC9]  }
0x91: {  	s18 =	sld [smem:$0x3FC8]  }
0x92: {  	s4 =	sld [smem:$0x3FD0];
	(tm) =	ssettm $0x1  }
0x93: {  	s5 =	sld [smem:$0x3FFB];
	_ =	sdelay $0x3  }
0x94: {  	_ =	strace s5  }
0x95: {  	s5 =	sld [smem:$0x3FFC];
	_ =	sdelay $0x3  }
0x96: {  	_ =	strace s5  }
0x97: {  	s5 =	sld [smem:$0x3FFD];
	_ =	sdelay $0x3  }
0x98: {  	_ =	strace s5  }
0x99: {  	_ =	strace $0x8FFFFFFF  }
0x9a: {  	s19 =	sld [smem:$0x3FDB];
	_ =	sdelay $0x1  }
0x9b: {  	s6 =	simm.s32 $_scs_section_size  }
0x9c: {  	s7 =	simm.s32 $_size__tile_overlayer_lowered;
	s8 =	simm.s32 $_tile_overlayer_lowered  }
0x9d: {  	s22 =	simm.s32 $0x1BFF;
	s21 =	sshll.u32 s8, $0x1;
	s5 =	sadd.s32 s6, s19  }
0x9e: {  	s9 =	simm.s32 $0x0;
	s20 =	sshll.u32 s7, $0x1;
	s7 =	sadd.s32 s21, s5  }
0x9f: {  	[timem:s9], [sflag:s22] =	dma.local [hbm:s7], s20  }
0xa0: {  	_ =	swait.ge [sflag:s22], s20  }
0xa1: {  	s6 =	ssub.s32 $0x0, s20;
	[sflag:s22] =	ssyncset.done $0x0  }
0xa2: {  	[sflag:s22] =	ssyncadd.s32 s6;
	_ =	sdelay $0x1  }
0xa3: {  	s23 =	simm.s32 $0x1B8B  }
0xa4: {  	_ =	swait.ge [sflag:s23], $0x1  }
0xa5: {  	[sflag:s23] =	ssyncset.done $0x0  }
0xa6: {  	s25 =	simm.s32 $0x1B8E;
	s24 =	sld [smem:$0x3FFE];
	[sflag:s23] =	ssyncadd.s32 $0xFFFFFFFF  }
0xa7: {  	s26 =	simm.s32 $execute0_lowered;
	[smem:$0x3FD2] =	sst s25  }
0xa8: {  	s7 =	sshll.u32 s26, $0x1;
	_ =	strace $0x80000046;
	[dreg:$0x1] =	wrdreg $0xFFFFFFFF  }
0xa9: {  	s28 =	simm.s32 $_size_execute0_lowered;
	s5 =	sadd.s32 s5, s7;
	[dreg:$0x0] =	wrdreg $0x0  }
0xaa: {  	s7 =	sshll.u32 s28, $0x1;
	[dreg:$0x2] =	wrdreg s5  }
0xab: {  	[dreg:$0x3] =	wrdreg s7  }
0xac: {  	[dreg:$0x4] =	wrdreg $0xC0  }
0xad: {  	_ =	task [dreg:s9], $0x5FFFF  }
0xae: {  	[dreg:$0x1] =	wrdreg $0xFFFFFFFF  }
0xaf: {  	[dreg:$0x0] =	wrdreg $0x60  }
0xb0: {  	[dreg:$0x2] =	wrdreg s2  }
0xb1: {  	[dreg:$0x3] =	wrdreg s18  }
0xb2: {  	[dreg:$0x4] =	wrdreg s24  }
0xb3: {  	[dreg:$0x5] =	wrdreg s4  }
0xb4: {  	[dreg:$0x6] =	wrdreg $0x9  }
0xb5: {  	_ =	task.clear_ibuf [dreg:s9], $0x7FFFF;
	_ =	strace $0x90000046  }
0xb6: {  	s29 =	simm.s32 $0x9;
	_ =	strace $0x80000048  }
0xb7: {  	_ =	swait.ge [sflag:s29], $0x1  }
0xb8: {  	[sflag:s29] =	ssyncadd.s32 $0xFFFFFFFF  }
0xb9: {  	_ =	strace $0x90000048  }
0xba: {  	_ =	sfence  }
0xbb: {  	s30 =	sld [smem:$0x0];
	_ =	sdelay $0x2  }
0xbc: {  	s31 =	sshll.u32 s1, $0xD;
	s1 =	sshrl.u32 s1, $0x2  }
0xbd: {  	s3 =	sand.u32 $0x4000, s31;
	s1 =	sadd.s32 s1, s30  }
0xbe: {  	s0 =	sor.u32 s3, s0;
	s1 =	sshll.u32 s1, $0x11  }
0xbf: {  	s0 =	sor.u32 s1, s0  }
0xc0: {  	s0 =	sadd.s32 $0x8F2B, s0  }
0xc1: {  	[sflag:s0] =	ssyncadd.remote.s32 $0x1  }
0xc2: {  	_ =	sfence.sel $0xFFFF  }
0xc3: {  	[dreg:$0x0] =	wrdreg $0xFFFFFFFF;
	(pc) =	sbr.abs _section_cstart, $3  }
0xc4: {  	[dreg:$0x1] =	wrdreg $0xFFFFFFFF  }
0xc5: {  	_ =	task.clear_ibuf [dreg:s9], $0x2FFFF;
	_ =	strace $0x9FFFFFFF  }
0xc6: {  	(tm) =	ssettm $0x7FFFFFFF  }
0xc7: {  	_ =	shalt  }
tec
execute0_lowered:
.L_overlay_start_1:
0x0: {  	(tag) =	ssettag $0x1  }
0x1: {  	s1 =	rddreg [dreg:$0x0]  }
0x2: {  	s2 =	rddreg [dreg:$0x1]  }
0x3: {  	s0 =	rddreg [dreg:$0x2];
	s3 =	srdreg.scid  }
0x4: {  	s5 =	stileid.u32;
	s4 =	rddreg [dreg:$0x3]  }
0x5: {  	s19 =	simm.s32 $0x1;
	s20 =	simm.s32 $0x80;
	s22 =	simm.s32 $0xF00  }
0x6: {  	s10 =	simm.s32 $0xAF00;
	s11 =	simm.s32 $0xD00;
	s15 =	simm.s32 $0xCF00  }
0x7: {  	s16 =	simm.s32 $0xD80;
	s17 =	simm.s32 $0xEF00;
	s18 =	simm.s32 $0xE00  }
0x8: {  	s21 =	simm.s32 $0x10F00;
	s23 =	simm.s32 $0xE80;
	s28 =	simm.s32 $0x5  }
0x9: {  	s29 =	simm.s32 $0x4;
	s3 =	sand.u32 $0x1, s3;
	s6 =	sshll.u32 s5, $0x1  }
0xa: {  	s5 =	simm.s32 $0x0;
	s7 =	sadd.s32 $0x400, s0;
	s8 =	sor.u32 s3, s6  }
0xb: {  	[smem:$0x7FF] =	sst s5;
	s24 =	ssub.s32 $0x2, s3;
	s6 =	smul.u32 $0x6400, s8  }
0xc: {  	_ =	strace $0x80000047;
	s3 =	sshrl.u32 s24, $0x1;
	s8 =	smul.u32 $0x320000, s8  }
0xd: {  	s0 =	ssub.s32 s24, s3;
	s24 =	simm.s32 $0x12F00;
	s9 =	sshrl.u32 s6, $0x3  }
0xe: {  	s8 =	sshrl.u32 s8, $0x3;
	s12 =	sor.u32 $0x280, s6;
	s0 =	smax.u32 s0, $0x1  }
0xf: {  	s13 =	sadd.s32 $0x500, s6;
	s25 =	sadd.s32 s1, s9;
	[dreg:$0xb] =	wrdreg s0  }
0x10: {  	s26 =	sor.u32 $0x50, s9;
	s9 =	sadd.s32 s2, s9;
	[dreg:$0x5] =	wrdreg s25  }
0x11: {  	s14 =	sadd.s32 $0x780, s6;
	[dreg:$0x6] =	wrdreg s9;
	s30 =	sadd.s32 s1, s26  }
0x12: {  	s31 =	sadd.s32 s4, s8;
	s3 =	sadd.s32 s2, s26;
	[dreg:$0x7] =	wrdreg s30  }
0x13: {  	s8 =	sadd.s32 $0x5F000, s31;
	s25 =	simm.s32 $0x3;
	[dreg:$0x8] =	wrdreg s3  }
0x14: {  	s26 =	simm.s32 $0x40;
	[dreg:$0x9] =	wrdreg s8;
	s3 =	sadd.s32 $0x61800, s31  }
0x15: {  	s8 =	simm.s32 $0x2;
	[dreg:$0xa] =	wrdreg s3;
	s3 =	simm.s32 $0x0  }
.LBB2_1:
0x16: {  	[dreg:$0xc] =	wrdreg s3  }
0x17: {  	s0 =	rddreg [dreg:$0x5]  }
0x18: {  	[tilespmem:s5], [sflag:$0x1] =	stream.linear.gather [hbm4b:s0+s5], $0x280, $0x38;
	[tilespmem:$0x14F00] =	vst v63  }
0x19: {  	s9 =	rddreg [dreg:$0x6];
	s31 =	simm.s32 $0x500  }
0x1a: {  	[tilespmem:s31], [sflag:$0x1] =	stream.linear.gather [hbm4b:s9+s5], $0x280, $0x38;
	[tilespmem:$0x14F00] =	vst v63  }
0x1b: {  	_ =	swait.ge [sflag:s19], $0x280  }
0x1c: {  	[sflag:s19] =	ssyncset.done $0x0  }
0x1d: {  	[sflag:s19] =	ssyncadd.s32 $0xFFFFFD80  }
0x1e: {  	_ =	swait.ge [sflag:s19], $0x280  }
0x1f: {  	[sflag:s19] =	ssyncset.done $0x0  }
0x20: {  	s30 =	simm.s32 $0x0;
	[sflag:s19] =	ssyncadd.s32 $0xFFFFFD80  }
0x21: {  	v0 =	vld [tilespmem:s30+$0x500]  }
0x22: {  	s3 =	simm.s32 $0x40;
	v1 =	vld [tilespmem:s30+$0x0]  }
.LBB2_2:
0x23: {  	_ = 	snop  }
0x24: {  	p0 =	sne.s32 s3, $0x9C0  }
.Ltmp0:
0x25: {  	_ = 	snop;
	(pc) =	sbr.rel @p0 .LBB2_2-.Ltmp0, $4  }
0x26: {  	v2 =	vmul.u32 $0x186A0, v0  }
0x27: {  	s0 =	sshra.s32 s3, $0x2  }
0x28: {  	v0 =	vld [tilespmem:s0+$0x500];
	v2 =	vadd.s32 v1, v2  }
0x29: {  	s3 =	sadd.s32 $0x40, s3;
	v1 =	vld [tilespmem:s0+$0x0];
	[tilespmem:s30+$0xA00] =	vst v2;
	s30 =	smov.u32 s0  }
0x2a: {  	_ =	sdelay $0x2  }
0x2b: {  	v0 =	vmul.u32 $0x186A0, v0;
	_ =	sdelay $0x1  }
0x2c: {  	v0 =	vadd.s32 v1, v0  }
0x2d: {  	s0 =	simm.s32 $0xA00;
	[tilespmem:s30+$0xA00] =	vst v0  }
0x2e: {  	[tilespmem:s22], [sflag:$0x3] =	stream.indirect.gather [hbm4b:s7+s20], $0x40, s0, s20, $0xb8;
	[tilespmem:$0x14F00] =	vst v63  }
0x2f: {  	s31 =	simm.s32 $0xA80;
	s3 =	simm.s32 $0x2F00  }
0x30: {  	[tilespmem:s3], [sflag:$0x3] =	stream.indirect.gather [hbm4b:s7+s20], $0x40, s31, s20, $0xb8;
	[tilespmem:$0x14F00] =	vst v63  }
0x31: {  	s9 =	simm.s32 $0xB00;
	s31 =	simm.s32 $0x4F00  }
0x32: {  	[tilespmem:s31], [sflag:$0x3] =	stream.indirect.gather [hbm4b:s7+s20], $0x40, s9, s20, $0xb8;
	[tilespmem:$0x14F00] =	vst v63  }
0x33: {  	s9 =	simm.s32 $0xB80;
	s31 =	simm.s32 $0x6F00  }
0x34: {  	[tilespmem:s31], [sflag:$0x3] =	stream.indirect.gather [hbm4b:s7+s20], $0x40, s9, s20, $0xb8;
	[tilespmem:$0x14F00] =	vst v63  }
0x35: {  	s9 =	simm.s32 $0xC00;
	s31 =	simm.s32 $0x8F00  }
0x36: {  	[tilespmem:s31], [sflag:$0x3] =	stream.indirect.gather [hbm4b:s7+s20], $0x40, s9, s20, $0xb8;
	[tilespmem:$0x14F00] =	vst v63  }
0x37: {  	s30 =	simm.s32 $0x0;
	s9 =	rddreg [dreg:$0x7];
	s31 =	simm.s32 $0x280  }
0x38: {  	[tilespmem:s31], [sflag:$0x2] =	stream.linear.gather [hbm4b:s9+s30], $0x280, $0x38;
	[tilespmem:$0x14F00] =	vst v63  }
0x39: {  	s9 =	rddreg [dreg:$0x8];
	s31 =	simm.s32 $0x780  }
0x3a: {  	[tilespmem:s31], [sflag:$0x2] =	stream.linear.gather [hbm4b:s9+s30], $0x280, $0x38;
	[tilespmem:$0x14F00] =	vst v63  }
.LBB2_4:
0x3b: {  	_ =	swait.ge [sflag:s8], $0x280  }
0x3c: {  	[sflag:s8] =	ssyncset.done $0x0  }
0x3d: {  	[sflag:s8] =	ssyncadd.s32 $0xFFFFFD80  }
0x3e: {  	_ =	swait.ge [sflag:s8], $0x280  }
0x3f: {  	[sflag:s8] =	ssyncset.done $0x0  }
0x40: {  	s31 =	simm.s32 $0x0;
	[sflag:s8] =	ssyncadd.s32 $0xFFFFFD80  }
0x41: {  	v0 =	vld [tilespmem:s31+$0x780]  }
0x42: {  	s3 =	simm.s32 $0x40;
	v1 =	vld [tilespmem:s31+$0x280]  }
.LBB2_5:
0x43: {  	_ = 	snop  }
0x44: {  	p0 =	sne.s32 s3, $0x9C0  }
.Ltmp1:
0x45: {  	_ = 	snop;
	(pc) =	sbr.rel @p0 .LBB2_5-.Ltmp1, $4  }
0x46: {  	v2 =	vmul.u32 $0x186A0, v0  }
0x47: {  	s0 =	sshra.s32 s3, $0x2  }
0x48: {  	v0 =	vld [tilespmem:s0+$0x780];
	v2 =	vadd.s32 v1, v2  }
0x49: {  	s3 =	sadd.s32 $0x40, s3;
	v1 =	vld [tilespmem:s0+$0x280];
	[tilespmem:s31+$0xC80] =	vst v2;
	s31 =	smov.u32 s0  }
0x4a: {  	_ =	sdelay $0x2  }
0x4b: {  	v0 =	vmul.u32 $0x186A0, v0;
	_ =	sdelay $0x1  }
0x4c: {  	v0 =	vadd.s32 v1, v0  }
0x4d: {  	s0 =	simm.s32 $0xC80;
	[tilespmem:s31+$0xC80] =	vst v0  }
0x4e: {  	[tilespmem:s10], [sflag:$0x4] =	stream.indirect.gather [hbm4b:s7+s20], $0x40, s0, s20, $0xb8;
	[tilespmem:$0x14F00] =	vst v63  }
0x4f: {  	_ = 	snop  }
0x50: {  	[tilespmem:s15], [sflag:$0x4] =	stream.indirect.gather [hbm4b:s7+s20], $0x40, s11, s20, $0xb8;
	[tilespmem:$0x14F00] =	vst v63  }
0x51: {  	s31 =	smul.u32 $0x500, s30  }
0x52: {  	[tilespmem:s17], [sflag:$0x4] =	stream.indirect.gather [hbm4b:s7+s20], $0x40, s16, s20, $0xb8;
	[tilespmem:$0x14F00] =	vst v63  }
0x53: {  	s3 =	sadd.s32 s31, s13  }
0x54: {  	[tilespmem:s21], [sflag:$0x4] =	stream.indirect.gather [hbm4b:s7+s20], $0x40, s18, s20, $0xb8;
	[tilespmem:$0x14F00] =	vst v63  }
0x55: {  	s0 =	sshrl.u32 s3, $0x3  }
0x56: {  	[tilespmem:s24], [sflag:$0x4] =	stream.indirect.gather [hbm4b:s7+s20], $0x40, s23, s20, $0xb8;
	[tilespmem:$0x14F00] =	vst v63  }
0x57: {  	s9 =	simm.s32 $0x0;
	s3 =	sadd.s32 s1, s0  }
0x58: {  	[tilespmem:s9], [sflag:$0x1] =	stream.linear.gather [hbm4b:s3+s9], $0x280, $0x38;
	[tilespmem:$0x14F00] =	vst v63  }
0x59: {  	s0 =	sadd.s32 s2, s0;
	s3 =	simm.s32 $0x500  }
0x5a: {  	[tilespmem:s3], [sflag:$0x1] =	stream.linear.gather [hbm4b:s0+s9], $0x280, $0x38;
	[tilespmem:$0x14F00] =	vst v63  }
0x5b: {  	_ =	swait.ge [sflag:s25], $0x2000  }
0x5c: {  	[sflag:s25] =	ssyncset.done $0x0  }
0x5d: {  	[sflag:s25] =	ssyncadd.s32 $0xFFFFE000  }
0x5e: {  	_ =	swait.ge [sflag:s25], $0x2000  }
0x5f: {  	[sflag:s25] =	ssyncset.done $0x0  }
0x60: {  	[sflag:s25] =	ssyncadd.s32 $0xFFFFE000  }
0x61: {  	_ =	swait.ge [sflag:s25], $0x2000  }
0x62: {  	[sflag:s25] =	ssyncset.done $0x0  }
0x63: {  	[sflag:s25] =	ssyncadd.s32 $0xFFFFE000  }
0x64: {  	_ =	swait.ge [sflag:s25], $0x2000  }
0x65: {  	[sflag:s25] =	ssyncset.done $0x0  }
0x66: {  	[sflag:s25] =	ssyncadd.s32 $0xFFFFE000  }
0x67: {  	s9 =	sadd.s32 s6, s31;
	_ =	swait.ge [sflag:s25], $0x2000  }
0x68: {  	s0 =	sshll.u32 s9, $0x4;
	[sflag:s25] =	ssyncset.done $0x0  }
0x69: {  	s0 =	sadd.s32 s4, s0;
	[sflag:s25] =	ssyncadd.s32 $0xFFFFE000  }
0x6a: {  	[hbm4b:s0+s26] =	stream.strided.scatter [tilespmem:s22], [sflag:$0x5], $0xA000, s20, s26, $0x38;
	[tilespmem:$0x14F00] =	vst v63  }
0x6b: {  	_ =	swait.ge [sflag:s28], $0xA000  }
0x6c: {  	[sflag:s28] =	ssyncset.done $0x0  }
0x6d: {  	[sflag:s28] =	ssyncadd.s32 $0xFFFF6000  }
0x6e: {  	_ =	swait.ge [sflag:s19], $0x280  }
0x6f: {  	[sflag:s19] =	ssyncset.done $0x0  }
0x70: {  	[sflag:s19] =	ssyncadd.s32 $0xFFFFFD80  }
0x71: {  	_ =	swait.ge [sflag:s19], $0x280  }
0x72: {  	[sflag:s19] =	ssyncset.done $0x0  }
0x73: {  	s3 =	simm.s32 $0x0;
	[sflag:s19] =	ssyncadd.s32 $0xFFFFFD80  }
0x74: {  	v0 =	vld [tilespmem:s3+$0x500]  }
0x75: {  	s0 =	simm.s32 $0x40;
	v1 =	vld [tilespmem:s3+$0x0]  }
.LBB2_7:
0x76: {  	_ = 	snop  }
0x77: {  	p0 =	sne.s32 s0, $0x9C0  }
.Ltmp2:
0x78: {  	_ = 	snop;
	(pc) =	sbr.rel @p0 .LBB2_7-.Ltmp2, $4  }
0x79: {  	v2 =	vmul.u32 $0x186A0, v0  }
0x7a: {  	s9 =	sshra.s32 s0, $0x2  }
0x7b: {  	v0 =	vld [tilespmem:s9+$0x500];
	v2 =	vadd.s32 v1, v2  }
0x7c: {  	s0 =	sadd.s32 $0x40, s0;
	v1 =	vld [tilespmem:s9+$0x0];
	[tilespmem:s3+$0xA00] =	vst v2;
	s3 =	smov.u32 s9  }
0x7d: {  	_ =	sdelay $0x2  }
0x7e: {  	v0 =	vmul.u32 $0x186A0, v0;
	_ =	sdelay $0x1  }
0x7f: {  	v0 =	vadd.s32 v1, v0  }
0x80: {  	s0 =	simm.s32 $0xA00;
	[tilespmem:s3+$0xA00] =	vst v0  }
0x81: {  	[tilespmem:s22], [sflag:$0x3] =	stream.indirect.gather [hbm4b:s7+s20], $0x40, s0, s20, $0xb8;
	[tilespmem:$0x14F00] =	vst v63  }
0x82: {  	s9 =	simm.s32 $0x2F00;
	s3 =	simm.s32 $0xA80  }
0x83: {  	[tilespmem:s9], [sflag:$0x3] =	stream.indirect.gather [hbm4b:s7+s20], $0x40, s3, s20, $0xb8;
	[tilespmem:$0x14F00] =	vst v63  }
0x84: {  	s3 =	simm.s32 $0xB00;
	s9 =	simm.s32 $0x4F00  }
0x85: {  	[tilespmem:s9], [sflag:$0x3] =	stream.indirect.gather [hbm4b:s7+s20], $0x40, s3, s20, $0xb8;
	[tilespmem:$0x14F00] =	vst v63  }
0x86: {  	s3 =	simm.s32 $0xB80;
	s9 =	simm.s32 $0x6F00  }
0x87: {  	[tilespmem:s9], [sflag:$0x3] =	stream.indirect.gather [hbm4b:s7+s20], $0x40, s3, s20, $0xb8;
	[tilespmem:$0x14F00] =	vst v63  }
0x88: {  	s3 =	simm.s32 $0xC00;
	s9 =	simm.s32 $0x8F00  }
0x89: {  	[tilespmem:s9], [sflag:$0x3] =	stream.indirect.gather [hbm4b:s7+s20], $0x40, s3, s20, $0xb8;
	[tilespmem:$0x14F00] =	vst v63  }
0x8a: {  	s3 =	sadd.s32 s31, s14  }
0x8b: {  	s0 =	sshrl.u32 s3, $0x3  }
0x8c: {  	s9 =	simm.s32 $0x280;
	s3 =	sadd.s32 s1, s0  }
0x8d: {  	[tilespmem:s9], [sflag:$0x2] =	stream.linear.gather [hbm4b:s3+s5], $0x280, $0x38;
	[tilespmem:$0x14F00] =	vst v63  }
0x8e: {  	s0 =	sadd.s32 s2, s0;
	s9 =	simm.s32 $0x780  }
0x8f: {  	[tilespmem:s9], [sflag:$0x2] =	stream.linear.gather [hbm4b:s0+s5], $0x280, $0x38;
	[tilespmem:$0x14F00] =	vst v63  }
0x90: {  	_ =	swait.ge [sflag:s29], $0x2000  }
0x91: {  	[sflag:s29] =	ssyncset.done $0x0  }
0x92: {  	[sflag:s29] =	ssyncadd.s32 $0xFFFFE000  }
0x93: {  	_ =	swait.ge [sflag:s29], $0x2000  }
0x94: {  	[sflag:s29] =	ssyncset.done $0x0  }
0x95: {  	[sflag:s29] =	ssyncadd.s32 $0xFFFFE000  }
0x96: {  	_ =	swait.ge [sflag:s29], $0x2000  }
0x97: {  	[sflag:s29] =	ssyncset.done $0x0  }
0x98: {  	[sflag:s29] =	ssyncadd.s32 $0xFFFFE000  }
0x99: {  	_ =	swait.ge [sflag:s29], $0x2000  }
0x9a: {  	[sflag:s29] =	ssyncset.done $0x0  }
0x9b: {  	s31 =	sadd.s32 s31, s12;
	[sflag:s29] =	ssyncadd.s32 $0xFFFFE000  }
0x9c: {  	s30 =	sadd.s32 $0x1, s30;
	s0 =	sshll.u32 s31, $0x4;
	_ =	swait.ge [sflag:s29], $0x2000  }
0x9d: {  	p0 =	sne.s32 s30, $0x13;
	s0 =	sand.u32 $0x1FFFF800, s0;
	[sflag:s29] =	ssyncset.done $0x0  }
.Ltmp3:
0x9e: {  	s0 =	sadd.s32 s4, s0;
	[sflag:s29] =	ssyncadd.s32 $0xFFFFE000;
	(pc) =	sbr.rel @p0 .LBB2_4-.Ltmp3, $4  }
0x9f: {  	[hbm4b:s0+s26] =	stream.strided.scatter [tilespmem:s10], [sflag:$0x5], $0xA000, s20, s26, $0x38;
	[tilespmem:$0x14F00] =	vst v63  }
0xa0: {  	_ =	swait.ge [sflag:s28], $0xA000  }
0xa1: {  	[sflag:s28] =	ssyncset.done $0x0  }
0xa2: {  	[sflag:s28] =	ssyncadd.s32 $0xFFFF6000  }
0xa3: {  	_ =	swait.ge [sflag:s8], $0x280  }
0xa4: {  	[sflag:s8] =	ssyncset.done $0x0  }
0xa5: {  	[sflag:s8] =	ssyncadd.s32 $0xFFFFFD80  }
0xa6: {  	_ =	swait.ge [sflag:s8], $0x280  }
0xa7: {  	[sflag:s8] =	ssyncset.done $0x0  }
0xa8: {  	s3 =	simm.s32 $0x0;
	[sflag:s8] =	ssyncadd.s32 $0xFFFFFD80  }
0xa9: {  	v0 =	vld [tilespmem:s3+$0x780]  }
0xaa: {  	s0 =	simm.s32 $0x40;
	v1 =	vld [tilespmem:s3+$0x280]  }
.LBB2_10:
0xab: {  	_ = 	snop  }
0xac: {  	p0 =	sne.s32 s0, $0x9C0  }
.Ltmp4:
0xad: {  	_ = 	snop;
	(pc) =	sbr.rel @p0 .LBB2_10-.Ltmp4, $4  }
0xae: {  	v2 =	vmul.u32 $0x186A0, v0  }
0xaf: {  	s9 =	sshra.s32 s0, $0x2  }
0xb0: {  	v0 =	vld [tilespmem:s9+$0x780];
	v2 =	vadd.s32 v1, v2  }
0xb1: {  	s0 =	sadd.s32 $0x40, s0;
	v1 =	vld [tilespmem:s9+$0x280];
	[tilespmem:s3+$0xC80] =	vst v2;
	s3 =	smov.u32 s9  }
0xb2: {  	_ =	sdelay $0x2  }
0xb3: {  	v0 =	vmul.u32 $0x186A0, v0;
	_ =	sdelay $0x1  }
0xb4: {  	v0 =	vadd.s32 v1, v0  }
0xb5: {  	s0 =	simm.s32 $0xC80;
	[tilespmem:s3+$0xC80] =	vst v0  }
0xb6: {  	[tilespmem:s10], [sflag:$0x4] =	stream.indirect.gather [hbm4b:s7+s20], $0x40, s0, s20, $0xb8;
	[tilespmem:$0x14F00] =	vst v63  }
0xb7: {  	_ = 	snop  }
0xb8: {  	[tilespmem:s15], [sflag:$0x4] =	stream.indirect.gather [hbm4b:s7+s20], $0x40, s11, s20, $0xb8;
	[tilespmem:$0x14F00] =	vst v63  }
0xb9: {  	_ = 	snop  }
0xba: {  	[tilespmem:s17], [sflag:$0x4] =	stream.indirect.gather [hbm4b:s7+s20], $0x40, s16, s20, $0xb8;
	[tilespmem:$0x14F00] =	vst v63  }
0xbb: {  	_ = 	snop  }
0xbc: {  	[tilespmem:s21], [sflag:$0x4] =	stream.indirect.gather [hbm4b:s7+s20], $0x40, s18, s20, $0xb8;
	[tilespmem:$0x14F00] =	vst v63  }
0xbd: {  	_ = 	snop  }
0xbe: {  	[tilespmem:s24], [sflag:$0x4] =	stream.indirect.gather [hbm4b:s7+s20], $0x40, s23, s20, $0xb8;
	[tilespmem:$0x14F00] =	vst v63  }
0xbf: {  	_ =	swait.ge [sflag:s25], $0x2000  }
0xc0: {  	[sflag:s25] =	ssyncset.done $0x0  }
0xc1: {  	[sflag:s25] =	ssyncadd.s32 $0xFFFFE000  }
0xc2: {  	_ =	swait.ge [sflag:s25], $0x2000  }
0xc3: {  	[sflag:s25] =	ssyncset.done $0x0  }
0xc4: {  	[sflag:s25] =	ssyncadd.s32 $0xFFFFE000  }
0xc5: {  	_ =	swait.ge [sflag:s25], $0x2000  }
0xc6: {  	[sflag:s25] =	ssyncset.done $0x0  }
0xc7: {  	[sflag:s25] =	ssyncadd.s32 $0xFFFFE000  }
0xc8: {  	_ =	swait.ge [sflag:s25], $0x2000  }
0xc9: {  	[sflag:s25] =	ssyncset.done $0x0  }
0xca: {  	[sflag:s25] =	ssyncadd.s32 $0xFFFFE000  }
0xcb: {  	_ =	swait.ge [sflag:s25], $0x2000  }
0xcc: {  	[sflag:s25] =	ssyncset.done $0x0  }
0xcd: {  	s3 =	rddreg [dreg:$0x9];
	[sflag:s25] =	ssyncadd.s32 $0xFFFFE000  }
0xce: {  	[hbm4b:s3+s26] =	stream.strided.scatter [tilespmem:s22], [sflag:$0x5], $0xA000, s20, s26, $0x38;
	[tilespmem:$0x14F00] =	vst v63  }
0xcf: {  	_ =	swait.ge [sflag:s28], $0xA000  }
0xd0: {  	[sflag:s28] =	ssyncset.done $0x0  }
0xd1: {  	[sflag:s28] =	ssyncadd.s32 $0xFFFF6000  }
0xd2: {  	_ =	swait.ge [sflag:s29], $0x2000  }
0xd3: {  	[sflag:s29] =	ssyncset.done $0x0  }
0xd4: {  	[sflag:s29] =	ssyncadd.s32 $0xFFFFE000  }
0xd5: {  	_ =	swait.ge [sflag:s29], $0x2000  }
0xd6: {  	[sflag:s29] =	ssyncset.done $0x0  }
0xd7: {  	[sflag:s29] =	ssyncadd.s32 $0xFFFFE000  }
0xd8: {  	_ =	swait.ge [sflag:s29], $0x2000  }
0xd9: {  	[sflag:s29] =	ssyncset.done $0x0  }
0xda: {  	[sflag:s29] =	ssyncadd.s32 $0xFFFFE000  }
0xdb: {  	_ =	swait.ge [sflag:s29], $0x2000  }
0xdc: {  	[sflag:s29] =	ssyncset.done $0x0  }
0xdd: {  	[sflag:s29] =	ssyncadd.s32 $0xFFFFE000  }
0xde: {  	_ =	swait.ge [sflag:s29], $0x2000  }
0xdf: {  	[sflag:s29] =	ssyncset.done $0x0  }
0xe0: {  	s9 =	rddreg [dreg:$0xa];
	[sflag:s29] =	ssyncadd.s32 $0xFFFFE000  }
0xe1: {  	[hbm4b:s9+s26] =	stream.strided.scatter [tilespmem:s10], [sflag:$0x5], $0xA000, s20, s26, $0x38;
	[tilespmem:$0x14F00] =	vst v63  }
0xe2: {  	_ =	swait.ge [sflag:s28], $0xA000  }
0xe3: {  	s30 =	rddreg [dreg:$0xc]  }
0xe4: {  	s31 =	rddreg [dreg:$0xb];
	s3 =	sadd.s32 $0x1, s30  }
0xe5: {  	p0 =	sne.s32 s3, s31  }
.Ltmp5:
0xe6: {  	_ = 	snop;
	(pc) =	sbr.rel @p0 .LBB2_1-.Ltmp5, $3  }
0xe7: {  	_ =	sdelay $0x1  }
0xe8: {  	[sflag:s28] =	ssyncset.done $0x0  }
0xe9: {  	[sflag:s28] =	ssyncadd.s32 $0xFFFF6000  }
0xea: {  	_ =	sfence.sel $0x180000  }
0xeb: {  	[bflag:$0x0] =	sbarrier.arrive $0xFFFF  }
0xec: {  	_ =	strace $0x90000047  }
0xed: {  	s0 =	stileid.u32;
	[bflag:$0x2] =	sbarrier.arrive $0xFFFF  }
0xee: {  	p0 =	sne.s32 s0, $0x0;
	s0 =	rddreg [dreg:$0x4]  }
0xef: {  	s0 =	sadd.s32 @!p0 $0x100000, s0  }
0xf0: {  	[sflag:s0] =	ssyncadd.tile.s32 @!p0 $0x1;
	_ =	shalt  }
.Lfunc_end2:
_tile_overlayer_lowered:
.L_overlay_start_2:
0xf1: {  	(tag) =	ssettag $0x2  }
0xf2: {  	s0 =	rddreg [dreg:$0x0];
	s2 =	stileid.u32  }
0xf3: {  	s1 =	rddreg [dreg:$0x1];
	p0 =	sne.s32 s2, $0x0  }
0xf4: {  	s3 =	rddreg [dreg:$0x2];
	[bflag:$0x3] =	sbarrier.arrive $0xFFFF;
	s2 =	simm.s32 @!p0 $0x1C05  }
0xf5: {  	[timem:s3], [sflag:s2] =	dma.local @!p0 [hbm:s0], s1  }
0xf6: {  	s0 =	simm.s32 @!p0 $0x5  }
0xf7: {  	_ =	swait.ge @!p0 [sflag:s0], s1  }
0xf8: {  	s1 =	ssub.s32 @!p0 $0x0, s1;
	[sflag:s0] =	ssyncset.done @!p0 $0x0  }
0xf9: {  	[sflag:s0] =	ssyncadd.s32 @!p0 s1  }
0xfa: {  	[bflag:$0x3] =	sbarrier.arrive $0xFFFF  }
0xfb: {  	_ =	shalt  }

</sc_bundles>
